<compile_context>
chip_gen: v7x
topology: tpu7x:2x2x1
jax: 0.10.2.dev20260603
libtpu: 0.0.44.dev20260713+nightly
codegen_flags: <defaults>
</compile_context>

<pallas_src>
import functools

import jax
import jax.numpy as jnp
from jax import lax
from jax.experimental import pallas as pl
from jax.experimental.pallas import tpu as pltpu
from jax.experimental.pallas import tpu_sc as plsc

BATCH = 16384
L = 16
D = 1.702


def _sigmoid(x):
    return 1.0 / (1.0 + jnp.exp(-x))


def _abc_body(nc, bpw, item_hbm, a_hbm, b_hbm, c_hbm,
              p_hbm, q_hbm, ct_hbm,
              iidx_v, a_v, b_v, c_v, p_v, q_v, ct_v, isem, gsem):
    wid = lax.axis_index("s") * nc + lax.axis_index("c")
    base = wid * bpw
    pltpu.sync_copy(item_hbm.at[pl.ds(base, bpw)], iidx_v)
    ca = pltpu.async_copy(a_hbm.at[iidx_v], a_v, gsem)
    cb = pltpu.async_copy(b_hbm.at[iidx_v], b_v, gsem)
    cc = pltpu.async_copy(c_hbm.at[iidx_v], c_v, gsem)
    ca.wait()
    cb.wait()
    cc.wait()

    def step(i, carry):
        sl = pl.ds(i * L, L)
        p = D * _sigmoid(a_v[sl])
        b = _sigmoid(b_v[sl]) - 0.5
        p_v[sl] = p
        q_v[sl] = p * b
        ct_v[sl] = _sigmoid(c_v[sl])
        return carry

    lax.fori_loop(0, bpw // L, step, 0)
    co1 = pltpu.async_copy(p_v, p_hbm.at[pl.ds(base, bpw)], isem)
    co2 = pltpu.async_copy(q_v, q_hbm.at[pl.ds(base, bpw)], isem)
    co3 = pltpu.async_copy(ct_v, ct_hbm.at[pl.ds(base, bpw)], isem)
    co1.wait()
    co2.wait()
    co3.wait()


def _theta_body(nc, bpw, user_hbm, theta_hbm, p_hbm, q_hbm, ct_hbm,
                out_hbm, uidx_v, th_v, p_v, q_v, ct_v, out_v, isem, gsem):
    wid = lax.axis_index("s") * nc + lax.axis_index("c")
    base = wid * bpw
    pltpu.sync_copy(user_hbm.at[pl.ds(base, bpw)], uidx_v)
    cth = pltpu.async_copy(theta_hbm.at[uidx_v], th_v, gsem)
    cp = pltpu.async_copy(p_hbm.at[pl.ds(base, bpw)], p_v, isem)
    cq = pltpu.async_copy(q_hbm.at[pl.ds(base, bpw)], q_v, isem)
    cct = pltpu.async_copy(ct_hbm.at[pl.ds(base, bpw)], ct_v, isem)
    cth.wait()
    cp.wait()
    cq.wait()
    cct.wait()

    def step(i, carry):
        sl = pl.ds(i * L, L)
        th = _sigmoid(th_v[sl]) - 0.5
        ct = ct_v[sl]
        out_v[sl] = ct + (1.0 - ct) * _sigmoid(p_v[sl] * th - q_v[sl])
        return carry

    lax.fori_loop(0, bpw // L, step, 0)
    pltpu.sync_copy(out_v, out_hbm.at[pl.ds(base, bpw)])


def kernel(user, item, theta_table, a_table, b_table, c_table):
    info = plsc.get_sparse_core_info()
    nc, ns = info.num_cores, info.num_subcores
    bpw = BATCH // (nc * ns)
    mesh = plsc.VectorSubcoreMesh(core_axis_name="c", subcore_axis_name="s")
    fvec = jax.ShapeDtypeStruct((BATCH,), jnp.float32)
    k1 = pl.kernel(
        functools.partial(_abc_body, nc, bpw),
        mesh=mesh,
        out_type=(fvec, fvec, fvec),
        scratch_types=[
            pltpu.VMEM((bpw,), jnp.int32),
            pltpu.VMEM((bpw,), jnp.float32),
            pltpu.VMEM((bpw,), jnp.float32),
            pltpu.VMEM((bpw,), jnp.float32),
            pltpu.VMEM((bpw,), jnp.float32),
            pltpu.VMEM((bpw,), jnp.float32),
            pltpu.VMEM((bpw,), jnp.float32),
            pltpu.SemaphoreType.DMA,
            pltpu.SemaphoreType.DMA,
        ],
    )
    k2 = pl.kernel(
        functools.partial(_theta_body, nc, bpw),
        mesh=mesh,
        out_type=fvec,
        scratch_types=[
            pltpu.VMEM((bpw,), jnp.int32),
            pltpu.VMEM((bpw,), jnp.float32),
            pltpu.VMEM((bpw,), jnp.float32),
            pltpu.VMEM((bpw,), jnp.float32),
            pltpu.VMEM((bpw,), jnp.float32),
            pltpu.VMEM((bpw,), jnp.float32),
            pltpu.SemaphoreType.DMA,
            pltpu.SemaphoreType.DMA,
        ],
    )
    p, q, ct = k1(item,
                  jnp.reshape(a_table, (-1,)),
                  jnp.reshape(b_table, (-1,)),
                  jnp.reshape(c_table, (-1,)))
    return k2(user, jnp.reshape(theta_table, (-1,)), p, q, ct)

# --- scband reference (transcript-rebuilt; emitter-appended) ---
"""Pipeline reference for scband-irtnet-82471962018235 (READ-ONLY COPY).

The authoritative reference and input builder live on the scoring server;
editing this copy changes nothing except your own understanding.
"""

import jax, jax.numpy as jnp
import numpy as np

USER_NUM = 1000000
ITEM_NUM = 100000
VALUE_RANGE = 1.0
BATCH = 16384

def setup_inputs(seed: int = 0) -> dict:
    key = jax.random.key(seed)
    k1, k2, k3, k4, k5, k6 = jax.random.split(key, 6)
    user = jax.random.randint(k1, (BATCH,), 0, USER_NUM, dtype=jnp.int64 if jax.config.jax_enable_x64 else jnp.int32)
    item = jax.random.randint(k2, (BATCH,), 0, ITEM_NUM, dtype=jnp.int64 if jax.config.jax_enable_x64 else jnp.int32)
    theta_table = jax.random.normal(k3, (USER_NUM, 1), dtype=jnp.float32)
    a_table = jax.random.normal(k4, (ITEM_NUM, 1), dtype=jnp.float32)
    b_table = jax.random.normal(k5, (ITEM_NUM, 1), dtype=jnp.float32)
    c_table = jax.random.normal(k6, (ITEM_NUM, 1), dtype=jnp.float32)
    return {"user": user, "item": item, "theta_table": theta_table, "a_table": a_table, "b_table": b_table, "c_table": c_table}

def _irt3pl(theta, a, b, c, D=1.702):
    return c + (1.0 - c) / (1.0 + jnp.exp(-D * a * (theta - b)))

def reference(user, item, theta_table, a_table, b_table, c_table):
    theta = jnp.squeeze(jnp.take(theta_table, user, axis=0), axis=-1)
    theta = VALUE_RANGE * (jax.nn.sigmoid(theta) - 0.5)
    a = jnp.squeeze(jnp.take(a_table, item, axis=0), axis=-1)
    a = jax.nn.sigmoid(a)
    b = jnp.squeeze(jnp.take(b_table, item, axis=0), axis=-1)
    b = VALUE_RANGE * (jax.nn.sigmoid(b) - 0.5)
    c = jnp.squeeze(jnp.take(c_table, item, axis=0), axis=-1)
    c = jax.nn.sigmoid(c)
    return _irt3pl(theta, a, b, c)

if __name__ == "__main__":
    import jax
    _d = setup_inputs()
    print(jax.jit(kernel)(*tuple(_d.values())))

</pallas_src>

<mosaic_0001>
#map = affine_map<(d0, d1) -> (0)>
module attributes {stable_mosaic.version = 14 : i64} {
  func.func @_theta_body(%arg0: i32, %arg1: i32, %arg2: memref<16384xi32, #tpu.memory_space<hbm>>, %arg3: memref<1000000xf32, #tpu.memory_space<hbm>>, %arg4: memref<16384xf32, #tpu.memory_space<hbm>>, %arg5: memref<16384xf32, #tpu.memory_space<hbm>>, %arg6: memref<16384xf32, #tpu.memory_space<hbm>>, %arg7: memref<16384xf32, #tpu.memory_space<hbm>>, %arg8: memref<512xi32, #tpu.memory_space<vmem>>, %arg9: memref<512xf32, #tpu.memory_space<vmem>>, %arg10: memref<512xf32, #tpu.memory_space<vmem>>, %arg11: memref<512xf32, #tpu.memory_space<vmem>>, %arg12: memref<512xf32, #tpu.memory_space<vmem>>, %arg13: memref<512xf32, #tpu.memory_space<vmem>>, %arg14: memref<!tpu.dma_semaphore, #tpu.memory_space<semaphore_mem>>, %arg15: memref<!tpu.dma_semaphore, #tpu.memory_space<semaphore_mem>>) attributes {dimension_semantics = [#tpu.dimension_semantics<core_parallel>, #tpu.dimension_semantics<subcore_parallel>], iteration_bounds = array<i64: 2, 16>, scalar_prefetch = 0 : i64, scratch_operands = 8 : i64, tpu.core_type = #tpu.core_type<sc_vector_subcore>, window_params = [{transform_indices = #map}, {transform_indices = #map}, {transform_indices = #map}, {transform_indices = #map}, {transform_indices = #map}, {transform_indices = #map}]} {
    %mul3A = arith.constant 2 : i32
    %mul3A_0 = arith.muli %arg1, %mul3A : i32
    %add3A = arith.addi %mul3A_0, %arg0 : i32
    %mul3A_1 = arith.constant 512 : i32
    %mul3A_2 = arith.muli %add3A, %mul3A_1 : i32
    "tpu.region"() ({
      %run_scoped3A = tpu.sem_alloc : memref<!tpu.dma_semaphore, #tpu.memory_space<semaphore_mem>>
      %dma_start3A_22 = tpu.memref_slice %arg2[%mul3A_2] : memref<16384xi32, #tpu.memory_space<hbm>> -> memref<512xi32, #tpu.memory_space<hbm>>
      %dma_start3A_23 = tpu.memref_slice %arg2[%mul3A_2] : memref<16384xi32, #tpu.memory_space<hbm>> -> memref<512xi32, #tpu.memory_space<hbm>>
      tpu.enqueue_dma source(%dma_start3A_23 : memref<512xi32, #tpu.memory_space<hbm>>) target(%arg8 : memref<512xi32, #tpu.memory_space<vmem>>) target_semaphore(%run_scoped3A : memref<!tpu.dma_semaphore, #tpu.memory_space<semaphore_mem>>)
      %dma_wait3A_24 = tpu.memref_slice %arg2[%mul3A_2] : memref<16384xi32, #tpu.memory_space<hbm>> -> memref<512xi32, #tpu.memory_space<hbm>>
      %dma_wait3A_25 = tpu.memref_slice %arg2[%mul3A_2] : memref<16384xi32, #tpu.memory_space<hbm>> -> memref<512xi32, #tpu.memory_space<hbm>>
      tpu.wait_dma2 semaphore(%run_scoped3A : memref<!tpu.dma_semaphore, #tpu.memory_space<semaphore_mem>>) src(%dma_wait3A_25 : memref<512xi32, #tpu.memory_space<hbm>>) dst(%arg8 : memref<512xi32, #tpu.memory_space<vmem>>)
      tpu.yield
    }) : () -> ()
    %dma_start3A = arith.constant 0 : i32
    %dma_start3A_3 = tpu.memref_slice %arg3[%dma_start3A] : memref<1000000xf32, #tpu.memory_space<hbm>> -> memref<1000000xf32, #tpu.memory_space<hbm>>
    tpu.enqueue_indirect_dma source(%dma_start3A_3 : memref<1000000xf32, #tpu.memory_space<hbm>>) target(%arg9 : memref<512xf32, #tpu.memory_space<vmem>>) offsets(%arg8 : memref<512xi32, #tpu.memory_space<vmem>>) semaphore(%arg15 : memref<!tpu.dma_semaphore, #tpu.memory_space<semaphore_mem>>)
    %dma_start3A_4 = tpu.memref_slice %arg4[%mul3A_2] : memref<16384xf32, #tpu.memory_space<hbm>> -> memref<512xf32, #tpu.memory_space<hbm>>
    %dma_start3A_5 = tpu.memref_slice %arg4[%mul3A_2] : memref<16384xf32, #tpu.memory_space<hbm>> -> memref<512xf32, #tpu.memory_space<hbm>>
    tpu.enqueue_dma source(%dma_start3A_5 : memref<512xf32, #tpu.memory_space<hbm>>) target(%arg10 : memref<512xf32, #tpu.memory_space<vmem>>) target_semaphore(%arg14 : memref<!tpu.dma_semaphore, #tpu.memory_space<semaphore_mem>>)
    %dma_start3A_6 = tpu.memref_slice %arg5[%mul3A_2] : memref<16384xf32, #tpu.memory_space<hbm>> -> memref<512xf32, #tpu.memory_space<hbm>>
    %dma_start3A_7 = tpu.memref_slice %arg5[%mul3A_2] : memref<16384xf32, #tpu.memory_space<hbm>> -> memref<512xf32, #tpu.memory_space<hbm>>
    tpu.enqueue_dma source(%dma_start3A_7 : memref<512xf32, #tpu.memory_space<hbm>>) target(%arg11 : memref<512xf32, #tpu.memory_space<vmem>>) target_semaphore(%arg14 : memref<!tpu.dma_semaphore, #tpu.memory_space<semaphore_mem>>)
    %dma_start3A_8 = tpu.memref_slice %arg6[%mul3A_2] : memref<16384xf32, #tpu.memory_space<hbm>> -> memref<512xf32, #tpu.memory_space<hbm>>
    %dma_start3A_9 = tpu.memref_slice %arg6[%mul3A_2] : memref<16384xf32, #tpu.memory_space<hbm>> -> memref<512xf32, #tpu.memory_space<hbm>>
    tpu.enqueue_dma source(%dma_start3A_9 : memref<512xf32, #tpu.memory_space<hbm>>) target(%arg12 : memref<512xf32, #tpu.memory_space<vmem>>) target_semaphore(%arg14 : memref<!tpu.dma_semaphore, #tpu.memory_space<semaphore_mem>>)
    %dma_wait3A = arith.constant 0 : i32
    %dma_wait3A_10 = tpu.memref_slice %arg3[%dma_wait3A] : memref<1000000xf32, #tpu.memory_space<hbm>> -> memref<1000000xf32, #tpu.memory_space<hbm>>
    tpu.wait_indirect_dma semaphore(%arg15 : memref<!tpu.dma_semaphore, #tpu.memory_space<semaphore_mem>>) src(%dma_wait3A_10 : memref<1000000xf32, #tpu.memory_space<hbm>>) dst(%arg9 : memref<512xf32, #tpu.memory_space<vmem>>)
    %dma_wait3A_11 = tpu.memref_slice %arg4[%mul3A_2] : memref<16384xf32, #tpu.memory_space<hbm>> -> memref<512xf32, #tpu.memory_space<hbm>>
    %dma_wait3A_12 = tpu.memref_slice %arg4[%mul3A_2] : memref<16384xf32, #tpu.memory_space<hbm>> -> memref<512xf32, #tpu.memory_space<hbm>>
    tpu.wait_dma2 semaphore(%arg14 : memref<!tpu.dma_semaphore, #tpu.memory_space<semaphore_mem>>) src(%dma_wait3A_12 : memref<512xf32, #tpu.memory_space<hbm>>) dst(%arg10 : memref<512xf32, #tpu.memory_space<vmem>>)
    %dma_wait3A_13 = tpu.memref_slice %arg5[%mul3A_2] : memref<16384xf32, #tpu.memory_space<hbm>> -> memref<512xf32, #tpu.memory_space<hbm>>
    %dma_wait3A_14 = tpu.memref_slice %arg5[%mul3A_2] : memref<16384xf32, #tpu.memory_space<hbm>> -> memref<512xf32, #tpu.memory_space<hbm>>
    tpu.wait_dma2 semaphore(%arg14 : memref<!tpu.dma_semaphore, #tpu.memory_space<semaphore_mem>>) src(%dma_wait3A_14 : memref<512xf32, #tpu.memory_space<hbm>>) dst(%arg11 : memref<512xf32, #tpu.memory_space<vmem>>)
    %dma_wait3A_15 = tpu.memref_slice %arg6[%mul3A_2] : memref<16384xf32, #tpu.memory_space<hbm>> -> memref<512xf32, #tpu.memory_space<hbm>>
    %dma_wait3A_16 = tpu.memref_slice %arg6[%mul3A_2] : memref<16384xf32, #tpu.memory_space<hbm>> -> memref<512xf32, #tpu.memory_space<hbm>>
    tpu.wait_dma2 semaphore(%arg14 : memref<!tpu.dma_semaphore, #tpu.memory_space<semaphore_mem>>) src(%dma_wait3A_16 : memref<512xf32, #tpu.memory_space<hbm>>) dst(%arg12 : memref<512xf32, #tpu.memory_space<vmem>>)
    %scan3A = arith.constant 0 : i32
    %scan3A_17 = arith.constant 0 : i32
    %scan3A_18 = arith.constant 32 : i32
    %scan3A_19 = arith.addi %scan3A_17, %scan3A_18 : i32
    %scan3A_20 = arith.constant 1 : i32
    scf.for %scan3A_22 = %scan3A_17 to %scan3A_19 step %scan3A_20  : i32 {
      %mul3A_23 = arith.constant 16 : i32
      %mul3A_24 = arith.muli %scan3A_22, %mul3A_23 : i32
      %get3A = arith.index_cast %mul3A_24 : i32 to index
      %get3A_25 = tpu.vector_load %arg9[%get3A] {strides = array<i32>} : memref<512xf32, #tpu.memory_space<vmem>>, vector<16xf32>,
      %get3A_26 = vector.shape_cast %get3A_25 : vector<16xf32> to vector<16xf32>
      %neg3A = arith.constant 0.000000e+00 : f32
      %neg3A_27 = vector.broadcast %neg3A : f32 to vector<16xf32>
      %neg3A_28 = arith.subf %neg3A_27, %get3A_26 : vector<16xf32>
      %exp3A = math.exp %neg3A_28 : vector<16xf32>
      %add3A_29 = arith.constant 1.000000e+00 : f32
      %add3A_30 = vector.broadcast %add3A_29 : f32 to vector<16xf32>
      %add3A_31 = arith.addf %add3A_30, %exp3A : vector<16xf32>
      %div3A = arith.constant 1.000000e+00 : f32
      %div3A_32 = vector.broadcast %div3A : f32 to vector<16xf32>
      %div3A_33 = arith.divf %div3A_32, %add3A_31 : vector<16xf32>
      %sub3A = arith.constant 5.000000e-01 : f32
      %sub3A_34 = vector.broadcast %sub3A : f32 to vector<16xf32>
      %sub3A_35 = arith.subf %div3A_33, %sub3A_34 : vector<16xf32>
      %get3A_36 = arith.index_cast %mul3A_24 : i32 to index
      %get3A_37 = tpu.vector_load %arg12[%get3A_36] {strides = array<i32>} : memref<512xf32, #tpu.memory_space<vmem>>, vector<16xf32>,
      %get3A_38 = vector.shape_cast %get3A_37 : vector<16xf32> to vector<16xf32>
      %sub3A_39 = arith.constant 1.000000e+00 : f32
      %sub3A_40 = vector.broadcast %sub3A_39 : f32 to vector<16xf32>
      %sub3A_41 = arith.subf %sub3A_40, %get3A_38 : vector<16xf32>
      %get3A_42 = arith.index_cast %mul3A_24 : i32 to index
      %get3A_43 = tpu.vector_load %arg10[%get3A_42] {strides = array<i32>} : memref<512xf32, #tpu.memory_space<vmem>>, vector<16xf32>,
      %get3A_44 = vector.shape_cast %get3A_43 : vector<16xf32> to vector<16xf32>
      %mul3A_45 = arith.mulf %get3A_44, %sub3A_35 : vector<16xf32>
      %get3A_46 = arith.index_cast %mul3A_24 : i32 to index
      %get3A_47 = tpu.vector_load %arg11[%get3A_46] {strides = array<i32>} : memref<512xf32, #tpu.memory_space<vmem>>, vector<16xf32>,
      %get3A_48 = vector.shape_cast %get3A_47 : vector<16xf32> to vector<16xf32>
      %sub3A_49 = arith.subf %mul3A_45, %get3A_48 : vector<16xf32>
      %neg3A_50 = arith.constant 0.000000e+00 : f32
      %neg3A_51 = vector.broadcast %neg3A_50 : f32 to vector<16xf32>
      %neg3A_52 = arith.subf %neg3A_51, %sub3A_49 : vector<16xf32>
      %exp3A_53 = math.exp %neg3A_52 : vector<16xf32>
      %add3A_54 = arith.constant 1.000000e+00 : f32
      %add3A_55 = vector.broadcast %add3A_54 : f32 to vector<16xf32>
      %add3A_56 = arith.addf %add3A_55, %exp3A_53 : vector<16xf32>
      %div3A_57 = arith.constant 1.000000e+00 : f32
      %div3A_58 = vector.broadcast %div3A_57 : f32 to vector<16xf32>
      %div3A_59 = arith.divf %div3A_58, %add3A_56 : vector<16xf32>
      %mul3A_60 = arith.mulf %sub3A_41, %div3A_59 : vector<16xf32>
      %add3A_61 = arith.addf %get3A_38, %mul3A_60 : vector<16xf32>
      %swap3A = arith.index_cast %mul3A_24 : i32 to index
      %swap3A_62 = tpu.vector_load %arg13[%swap3A] {strides = array<i32>} : memref<512xf32, #tpu.memory_space<vmem>>, vector<16xf32>,
      %swap3A_63 = vector.shape_cast %swap3A_62 : vector<16xf32> to vector<16xf32>
      %swap3A_64 = vector.shape_cast %add3A_61 : vector<16xf32> to vector<16xf32>
      tpu.vector_store %arg13[%swap3A], %swap3A_64 {strides = array<i32>} : memref<512xf32, #tpu.memory_space<vmem>>, vector<16xf32>,
    }
    %scan3A_21 = arith.constant 32 : i32
    "tpu.region"() ({
      %run_scoped3A = tpu.sem_alloc : memref<!tpu.dma_semaphore, #tpu.memory_space<semaphore_mem>>
      %dma_start3A_22 = tpu.memref_slice %arg7[%mul3A_2] : memref<16384xf32, #tpu.memory_space<hbm>> -> memref<512xf32, #tpu.memory_space<hbm>>
      %dma_start3A_23 = tpu.memref_slice %arg7[%mul3A_2] : memref<16384xf32, #tpu.memory_space<hbm>> -> memref<512xf32, #tpu.memory_space<hbm>>
      tpu.enqueue_dma source(%arg13 : memref<512xf32, #tpu.memory_space<vmem>>) target(%dma_start3A_23 : memref<512xf32, #tpu.memory_space<hbm>>) target_semaphore(%run_scoped3A : memref<!tpu.dma_semaphore, #tpu.memory_space<semaphore_mem>>)
      %dma_wait3A_24 = tpu.memref_slice %arg7[%mul3A_2] : memref<16384xf32, #tpu.memory_space<hbm>> -> memref<512xf32, #tpu.memory_space<hbm>>
      %dma_wait3A_25 = tpu.memref_slice %arg7[%mul3A_2] : memref<16384xf32, #tpu.memory_space<hbm>> -> memref<512xf32, #tpu.memory_space<hbm>>
      tpu.wait_dma2 semaphore(%run_scoped3A : memref<!tpu.dma_semaphore, #tpu.memory_space<semaphore_mem>>) src(%arg13 : memref<512xf32, #tpu.memory_space<vmem>>) dst(%dma_wait3A_25 : memref<512xf32, #tpu.memory_space<hbm>>)
      tpu.yield
    }) : () -> ()
    return
  }
}

#map = affine_map<(d0, d1) -> (0)>
module attributes {stable_mosaic.version = 14 : i64} {
  func.func @_abc_body(%arg0: i32, %arg1: i32, %arg2: memref<16384xi32, #tpu.memory_space<hbm>>, %arg3: memref<100000xf32, #tpu.memory_space<hbm>>, %arg4: memref<100000xf32, #tpu.memory_space<hbm>>, %arg5: memref<100000xf32, #tpu.memory_space<hbm>>, %arg6: memref<16384xf32, #tpu.memory_space<hbm>>, %arg7: memref<16384xf32, #tpu.memory_space<hbm>>, %arg8: memref<16384xf32, #tpu.memory_space<hbm>>, %arg9: memref<512xi32, #tpu.memory_space<vmem>>, %arg10: memref<512xf32, #tpu.memory_space<vmem>>, %arg11: memref<512xf32, #tpu.memory_space<vmem>>, %arg12: memref<512xf32, #tpu.memory_space<vmem>>, %arg13: memref<512xf32, #tpu.memory_space<vmem>>, %arg14: memref<512xf32, #tpu.memory_space<vmem>>, %arg15: memref<512xf32, #tpu.memory_space<vmem>>, %arg16: memref<!tpu.dma_semaphore, #tpu.memory_space<semaphore_mem>>, %arg17: memref<!tpu.dma_semaphore, #tpu.memory_space<semaphore_mem>>) attributes {dimension_semantics = [#tpu.dimension_semantics<core_parallel>, #tpu.dimension_semantics<subcore_parallel>], iteration_bounds = array<i64: 2, 16>, scalar_prefetch = 0 : i64, scratch_operands = 9 : i64, tpu.core_type = #tpu.core_type<sc_vector_subcore>, window_params = [{transform_indices = #map}, {transform_indices = #map}, {transform_indices = #map}, {transform_indices = #map}, {transform_indices = #map}, {transform_indices = #map}, {transform_indices = #map}]} {
    %mul3A = arith.constant 2 : i32
    %mul3A_0 = arith.muli %arg1, %mul3A : i32
    %add3A = arith.addi %mul3A_0, %arg0 : i32
    %mul3A_1 = arith.constant 512 : i32
    %mul3A_2 = arith.muli %add3A, %mul3A_1 : i32
    "tpu.region"() ({
      %run_scoped3A = tpu.sem_alloc : memref<!tpu.dma_semaphore, #tpu.memory_space<semaphore_mem>>
      %dma_start3A_30 = tpu.memref_slice %arg2[%mul3A_2] : memref<16384xi32, #tpu.memory_space<hbm>> -> memref<512xi32, #tpu.memory_space<hbm>>
      %dma_start3A_31 = tpu.memref_slice %arg2[%mul3A_2] : memref<16384xi32, #tpu.memory_space<hbm>> -> memref<512xi32, #tpu.memory_space<hbm>>
      tpu.enqueue_dma source(%dma_start3A_31 : memref<512xi32, #tpu.memory_space<hbm>>) target(%arg9 : memref<512xi32, #tpu.memory_space<vmem>>) target_semaphore(%run_scoped3A : memref<!tpu.dma_semaphore, #tpu.memory_space<semaphore_mem>>)
      %dma_wait3A_32 = tpu.memref_slice %arg2[%mul3A_2] : memref<16384xi32, #tpu.memory_space<hbm>> -> memref<512xi32, #tpu.memory_space<hbm>>
      %dma_wait3A_33 = tpu.memref_slice %arg2[%mul3A_2] : memref<16384xi32, #tpu.memory_space<hbm>> -> memref<512xi32, #tpu.memory_space<hbm>>
      tpu.wait_dma2 semaphore(%run_scoped3A : memref<!tpu.dma_semaphore, #tpu.memory_space<semaphore_mem>>) src(%dma_wait3A_33 : memref<512xi32, #tpu.memory_space<hbm>>) dst(%arg9 : memref<512xi32, #tpu.memory_space<vmem>>)
      tpu.yield
    }) : () -> ()
    %dma_start3A = arith.constant 0 : i32
    %dma_start3A_3 = tpu.memref_slice %arg3[%dma_start3A] : memref<100000xf32, #tpu.memory_space<hbm>> -> memref<100000xf32, #tpu.memory_space<hbm>>
    tpu.enqueue_indirect_dma source(%dma_start3A_3 : memref<100000xf32, #tpu.memory_space<hbm>>) target(%arg10 : memref<512xf32, #tpu.memory_space<vmem>>) offsets(%arg9 : memref<512xi32, #tpu.memory_space<vmem>>) semaphore(%arg17 : memref<!tpu.dma_semaphore, #tpu.memory_space<semaphore_mem>>)
    %dma_start3A_4 = arith.constant 0 : i32
    %dma_start3A_5 = tpu.memref_slice %arg4[%dma_start3A_4] : memref<100000xf32, #tpu.memory_space<hbm>> -> memref<100000xf32, #tpu.memory_space<hbm>>
    tpu.enqueue_indirect_dma source(%dma_start3A_5 : memref<100000xf32, #tpu.memory_space<hbm>>) target(%arg11 : memref<512xf32, #tpu.memory_space<vmem>>) offsets(%arg9 : memref<512xi32, #tpu.memory_space<vmem>>) semaphore(%arg17 : memref<!tpu.dma_semaphore, #tpu.memory_space<semaphore_mem>>)
    %dma_start3A_6 = arith.constant 0 : i32
    %dma_start3A_7 = tpu.memref_slice %arg5[%dma_start3A_6] : memref<100000xf32, #tpu.memory_space<hbm>> -> memref<100000xf32, #tpu.memory_space<hbm>>
    tpu.enqueue_indirect_dma source(%dma_start3A_7 : memref<100000xf32, #tpu.memory_space<hbm>>) target(%arg12 : memref<512xf32, #tpu.memory_space<vmem>>) offsets(%arg9 : memref<512xi32, #tpu.memory_space<vmem>>) semaphore(%arg17 : memref<!tpu.dma_semaphore, #tpu.memory_space<semaphore_mem>>)
    %dma_wait3A = arith.constant 0 : i32
    %dma_wait3A_8 = tpu.memref_slice %arg3[%dma_wait3A] : memref<100000xf32, #tpu.memory_space<hbm>> -> memref<100000xf32, #tpu.memory_space<hbm>>
    tpu.wait_indirect_dma semaphore(%arg17 : memref<!tpu.dma_semaphore, #tpu.memory_space<semaphore_mem>>) src(%dma_wait3A_8 : memref<100000xf32, #tpu.memory_space<hbm>>) dst(%arg10 : memref<512xf32, #tpu.memory_space<vmem>>)
    %dma_wait3A_9 = arith.constant 0 : i32
    %dma_wait3A_10 = tpu.memref_slice %arg4[%dma_wait3A_9] : memref<100000xf32, #tpu.memory_space<hbm>> -> memref<100000xf32, #tpu.memory_space<hbm>>
    tpu.wait_indirect_dma semaphore(%arg17 : memref<!tpu.dma_semaphore, #tpu.memory_space<semaphore_mem>>) src(%dma_wait3A_10 : memref<100000xf32, #tpu.memory_space<hbm>>) dst(%arg11 : memref<512xf32, #tpu.memory_space<vmem>>)
    %dma_wait3A_11 = arith.constant 0 : i32
    %dma_wait3A_12 = tpu.memref_slice %arg5[%dma_wait3A_11] : memref<100000xf32, #tpu.memory_space<hbm>> -> memref<100000xf32, #tpu.memory_space<hbm>>
    tpu.wait_indirect_dma semaphore(%arg17 : memref<!tpu.dma_semaphore, #tpu.memory_space<semaphore_mem>>) src(%dma_wait3A_12 : memref<100000xf32, #tpu.memory_space<hbm>>) dst(%arg12 : memref<512xf32, #tpu.memory_space<vmem>>)
    %scan3A = arith.constant 0 : i32
    %scan3A_13 = arith.constant 0 : i32
    %scan3A_14 = arith.constant 32 : i32
    %scan3A_15 = arith.addi %scan3A_13, %scan3A_14 : i32
    %scan3A_16 = arith.constant 1 : i32
    scf.for %scan3A_30 = %scan3A_13 to %scan3A_15 step %scan3A_16  : i32 {
      %mul3A_31 = arith.constant 16 : i32
      %mul3A_32 = arith.muli %scan3A_30, %mul3A_31 : i32
      %get3A = arith.index_cast %mul3A_32 : i32 to index
      %get3A_33 = tpu.vector_load %arg10[%get3A] {strides = array<i32>} : memref<512xf32, #tpu.memory_space<vmem>>, vector<16xf32>,
      %get3A_34 = vector.shape_cast %get3A_33 : vector<16xf32> to vector<16xf32>
      %neg3A = arith.constant 0.000000e+00 : f32
      %neg3A_35 = vector.broadcast %neg3A : f32 to vector<16xf32>
      %neg3A_36 = arith.subf %neg3A_35, %get3A_34 : vector<16xf32>
      %exp3A = math.exp %neg3A_36 : vector<16xf32>
      %add3A_37 = arith.constant 1.000000e+00 : f32
      %add3A_38 = vector.broadcast %add3A_37 : f32 to vector<16xf32>
      %add3A_39 = arith.addf %add3A_38, %exp3A : vector<16xf32>
      %div3A = arith.constant 1.000000e+00 : f32
      %div3A_40 = vector.broadcast %div3A : f32 to vector<16xf32>
      %div3A_41 = arith.divf %div3A_40, %add3A_39 : vector<16xf32>
      %mul3A_42 = arith.constant 1.702000e+00 : f32
      %mul3A_43 = vector.broadcast %mul3A_42 : f32 to vector<16xf32>
      %mul3A_44 = arith.mulf %mul3A_43, %div3A_41 : vector<16xf32>
      %get3A_45 = arith.index_cast %mul3A_32 : i32 to index
      %get3A_46 = tpu.vector_load %arg11[%get3A_45] {strides = array<i32>} : memref<512xf32, #tpu.memory_space<vmem>>, vector<16xf32>,
      %get3A_47 = vector.shape_cast %get3A_46 : vector<16xf32> to vector<16xf32>
      %neg3A_48 = arith.constant 0.000000e+00 : f32
      %neg3A_49 = vector.broadcast %neg3A_48 : f32 to vector<16xf32>
      %neg3A_50 = arith.subf %neg3A_49, %get3A_47 : vector<16xf32>
      %exp3A_51 = math.exp %neg3A_50 : vector<16xf32>
      %add3A_52 = arith.constant 1.000000e+00 : f32
      %add3A_53 = vector.broadcast %add3A_52 : f32 to vector<16xf32>
      %add3A_54 = arith.addf %add3A_53, %exp3A_51 : vector<16xf32>
      %div3A_55 = arith.constant 1.000000e+00 : f32
      %div3A_56 = vector.broadcast %div3A_55 : f32 to vector<16xf32>
      %div3A_57 = arith.divf %div3A_56, %add3A_54 : vector<16xf32>
      %sub3A = arith.constant 5.000000e-01 : f32
      %sub3A_58 = vector.broadcast %sub3A : f32 to vector<16xf32>
      %sub3A_59 = arith.subf %div3A_57, %sub3A_58 : vector<16xf32>
      %swap3A = arith.index_cast %mul3A_32 : i32 to index
      %swap3A_60 = tpu.vector_load %arg13[%swap3A] {strides = array<i32>} : memref<512xf32, #tpu.memory_space<vmem>>, vector<16xf32>,
      %swap3A_61 = vector.shape_cast %swap3A_60 : vector<16xf32> to vector<16xf32>
      %swap3A_62 = vector.shape_cast %mul3A_44 : vector<16xf32> to vector<16xf32>
      tpu.vector_store %arg13[%swap3A], %swap3A_62 {strides = array<i32>} : memref<512xf32, #tpu.memory_space<vmem>>, vector<16xf32>,
      %mul3A_63 = arith.mulf %mul3A_44, %sub3A_59 : vector<16xf32>
      %swap3A_64 = arith.index_cast %mul3A_32 : i32 to index
      %swap3A_65 = tpu.vector_load %arg14[%swap3A_64] {strides = array<i32>} : memref<512xf32, #tpu.memory_space<vmem>>, vector<16xf32>,
      %swap3A_66 = vector.shape_cast %swap3A_65 : vector<16xf32> to vector<16xf32>
      %swap3A_67 = vector.shape_cast %mul3A_63 : vector<16xf32> to vector<16xf32>
      tpu.vector_store %arg14[%swap3A_64], %swap3A_67 {strides = array<i32>} : memref<512xf32, #tpu.memory_space<vmem>>, vector<16xf32>,
      %get3A_68 = arith.index_cast %mul3A_32 : i32 to index
      %get3A_69 = tpu.vector_load %arg12[%get3A_68] {strides = array<i32>} : memref<512xf32, #tpu.memory_space<vmem>>, vector<16xf32>,
      %get3A_70 = vector.shape_cast %get3A_69 : vector<16xf32> to vector<16xf32>
      %neg3A_71 = arith.constant 0.000000e+00 : f32
      %neg3A_72 = vector.broadcast %neg3A_71 : f32 to vector<16xf32>
      %neg3A_73 = arith.subf %neg3A_72, %get3A_70 : vector<16xf32>
      %exp3A_74 = math.exp %neg3A_73 : vector<16xf32>
      %add3A_75 = arith.constant 1.000000e+00 : f32
      %add3A_76 = vector.broadcast %add3A_75 : f32 to vector<16xf32>
      %add3A_77 = arith.addf %add3A_76, %exp3A_74 : vector<16xf32>
      %div3A_78 = arith.constant 1.000000e+00 : f32
      %div3A_79 = vector.broadcast %div3A_78 : f32 to vector<16xf32>
      %div3A_80 = arith.divf %div3A_79, %add3A_77 : vector<16xf32>
      %swap3A_81 = arith.index_cast %mul3A_32 : i32 to index
      %swap3A_82 = tpu.vector_load %arg15[%swap3A_81] {strides = array<i32>} : memref<512xf32, #tpu.memory_space<vmem>>, vector<16xf32>,
      %swap3A_83 = vector.shape_cast %swap3A_82 : vector<16xf32> to vector<16xf32>
      %swap3A_84 = vector.shape_cast %div3A_80 : vector<16xf32> to vector<16xf32>
      tpu.vector_store %arg15[%swap3A_81], %swap3A_84 {strides = array<i32>} : memref<512xf32, #tpu.memory_space<vmem>>, vector<16xf32>,
    }
    %scan3A_17 = arith.constant 32 : i32
    %dma_start3A_18 = tpu.memref_slice %arg6[%mul3A_2] : memref<16384xf32, #tpu.memory_space<hbm>> -> memref<512xf32, #tpu.memory_space<hbm>>
    %dma_start3A_19 = tpu.memref_slice %arg6[%mul3A_2] : memref<16384xf32, #tpu.memory_space<hbm>> -> memref<512xf32, #tpu.memory_space<hbm>>
    tpu.enqueue_dma source(%arg13 : memref<512xf32, #tpu.memory_space<vmem>>) target(%dma_start3A_19 : memref<512xf32, #tpu.memory_space<hbm>>) target_semaphore(%arg16 : memref<!tpu.dma_semaphore, #tpu.memory_space<semaphore_mem>>)
    %dma_start3A_20 = tpu.memref_slice %arg7[%mul3A_2] : memref<16384xf32, #tpu.memory_space<hbm>> -> memref<512xf32, #tpu.memory_space<hbm>>
    %dma_start3A_21 = tpu.memref_slice %arg7[%mul3A_2] : memref<16384xf32, #tpu.memory_space<hbm>> -> memref<512xf32, #tpu.memory_space<hbm>>
    tpu.enqueue_dma source(%arg14 : memref<512xf32, #tpu.memory_space<vmem>>) target(%dma_start3A_21 : memref<512xf32, #tpu.memory_space<hbm>>) target_semaphore(%arg16 : memref<!tpu.dma_semaphore, #tpu.memory_space<semaphore_mem>>)
    %dma_start3A_22 = tpu.memref_slice %arg8[%mul3A_2] : memref<16384xf32, #tpu.memory_space<hbm>> -> memref<512xf32, #tpu.memory_space<hbm>>
    %dma_start3A_23 = tpu.memref_slice %arg8[%mul3A_2] : memref<16384xf32, #tpu.memory_space<hbm>> -> memref<512xf32, #tpu.memory_space<hbm>>
    tpu.enqueue_dma source(%arg15 : memref<512xf32, #tpu.memory_space<vmem>>) target(%dma_start3A_23 : memref<512xf32, #tpu.memory_space<hbm>>) target_semaphore(%arg16 : memref<!tpu.dma_semaphore, #tpu.memory_space<semaphore_mem>>)
    %dma_wait3A_24 = tpu.memref_slice %arg6[%mul3A_2] : memref<16384xf32, #tpu.memory_space<hbm>> -> memref<512xf32, #tpu.memory_space<hbm>>
    %dma_wait3A_25 = tpu.memref_slice %arg6[%mul3A_2] : memref<16384xf32, #tpu.memory_space<hbm>> -> memref<512xf32, #tpu.memory_space<hbm>>
    tpu.wait_dma2 semaphore(%arg16 : memref<!tpu.dma_semaphore, #tpu.memory_space<semaphore_mem>>) src(%arg13 : memref<512xf32, #tpu.memory_space<vmem>>) dst(%dma_wait3A_25 : memref<512xf32, #tpu.memory_space<hbm>>)
    %dma_wait3A_26 = tpu.memref_slice %arg7[%mul3A_2] : memref<16384xf32, #tpu.memory_space<hbm>> -> memref<512xf32, #tpu.memory_space<hbm>>
    %dma_wait3A_27 = tpu.memref_slice %arg7[%mul3A_2] : memref<16384xf32, #tpu.memory_space<hbm>> -> memref<512xf32, #tpu.memory_space<hbm>>
    tpu.wait_dma2 semaphore(%arg16 : memref<!tpu.dma_semaphore, #tpu.memory_space<semaphore_mem>>) src(%arg14 : memref<512xf32, #tpu.memory_space<vmem>>) dst(%dma_wait3A_27 : memref<512xf32, #tpu.memory_space<hbm>>)
    %dma_wait3A_28 = tpu.memref_slice %arg8[%mul3A_2] : memref<16384xf32, #tpu.memory_space<hbm>> -> memref<512xf32, #tpu.memory_space<hbm>>
    %dma_wait3A_29 = tpu.memref_slice %arg8[%mul3A_2] : memref<16384xf32, #tpu.memory_space<hbm>> -> memref<512xf32, #tpu.memory_space<hbm>>
    tpu.wait_dma2 semaphore(%arg16 : memref<!tpu.dma_semaphore, #tpu.memory_space<semaphore_mem>>) src(%arg15 : memref<512xf32, #tpu.memory_space<vmem>>) dst(%dma_wait3A_29 : memref<512xf32, #tpu.memory_space<hbm>>)
    return
  }
}

</mosaic_0001>

<sc_bundles>
// kernel: kernel.4.cloned.1.call-start
scs
__scs_entry_jumppad:
0x0: {  	(pc) =	sbr.rel $0x88, $3  }
0x1: {  	(tag) =	ssettag $0x0;
	lr =	simm.s32 $0x1  }
0x2: {  	[smem:$0x3F9B] =	sst lr;
	_ =	strace $0xD0000000  }
0x3: {  	_ = 	snop  }
0x4: {  	_ = 	snop  }
0x5: {  	_ = 	snop  }
0x6: {  	_ = 	snop  }
0x7: {  	_ = 	snop  }
__scs_overlays_trampoline_lowered:
0x8: {  	[smem:$0x3FAA] =	sst s0  }
0x9: {  	[smem:$0x3FAB] =	sst s1  }
0xa: {  	[smem:$0x3FAC] =	sst s2  }
0xb: {  	[smem:$0x3FAD] =	sst s3  }
0xc: {  	[smem:$0x3FAE] =	sst s4  }
0xd: {  	[smem:$0x3FAF] =	sst s5  }
0xe: {  	[smem:$0x3FB0] =	sst s6  }
0xf: {  	[smem:$0x3FB1] =	sst s7  }
0x10: {  	[smem:$0x3FB2] =	sst s8  }
0x11: {  	[smem:$0x3FB3] =	sst s9;
	s0 =	simm.s32 @!p0 $0x0  }
0x12: {  	s1 =	sld [smem:$0x3F99];
	s0 =	simm.s32 @p0 $0x1  }
0x13: {  	[smem:$0x3FB4] =	sst s0;
	s0 =	simm.s32 @!p1 $0x0  }
0x14: {  	s2 =	sld [smem:$0x3F98];
	s0 =	simm.s32 @p1 $0x1  }
0x15: {  	[smem:$0x3FB5] =	sst s0;
	s0 =	simm.s32 @!p2 $0x0  }
0x16: {  	s3 =	sld [smem:$0x3FDB];
	s0 =	simm.s32 @p2 $0x1  }
0x17: {  	s4 =	simm.s32 $0x1BF5;
	[smem:$0x3FB7] =	sst s0  }
0x18: {  	s0 =	sld [smem:$0x3F9A];
	_ =	swait.ge [sflag:s4], $0x0  }
0x19: {  	s7 =	sld [smem:$0x3F9B]  }
0x1a: {  	s8 =	sadd.s32 $0xFFFFE003, lr  }
0x1b: {  	s9 =	sadd.s32 $0xFFFFFEF7, lr;
	s5 =	simm.s32 $0xFFFFFFFF;
	p2 =	slt.u32 s8, $0xFFFFF086  }
0x1c: {  	p1 =	slt.u32 s9, $0xF7A;
	s5 =	simm.s32 @!p2 $0x0  }
0x1d: {  	s5 =	simm.s32 @p1 $0x1;
	p0 =	seq.s32 s7, s2  }
0x1e: {  	s7 =	smul.u32 @!p0 $0xF7A, s2;
	p2 =	seq.s32 @!p0 s5, $0x0  }
0x1f: {  	s9 =	smul.u32 $0xF7A, s1;
	s8 =	simm.s32 @!p0 $0x1BF5;
	p2 =	por !p2, p0  }
0x20: {  	[sflag:s8] =	ssyncset.s32 @!p0 $0xFFFFF086;
	s6 =	sadd.s32 @!p0 s3, s7;
	s7 =	simm.s32 @!p0 $0x108  }
0x21: {  	s3 =	sadd.s32 s3, s9;
	s6 =	sadd.s32 @!p0 $0x88, s6;
	s7 =	simm.s32 @p2 $0x1082  }
0x22: {  	[simem:s7], [sflag:s8] =	dma.local @!p0 [hbm:s6], $0xF7A  }
0x23: {  	s9 =	sor.u32 $0xD0000000, s2;
	s6 =	simm.s32 $0x108;
	_ =	swait.ge @!p0 [sflag:s8], $0x0  }
0x24: {  	s3 =	sadd.s32 $0x88, s3;
	s6 =	simm.s32 @!p1 $0x1082;
	[sflag:s4] =	ssyncset.s32 $0xFFFFF086  }
0x25: {  	[simem:s6], [sflag:s4] =	dma.local [hbm:s3], $0xF7A  }
0x26: {  	[smem:$0x3F9B] =	sst s1;
	(tag) =	ssettag s2;
	_ =	strace s9  }
0x27: {  	s1 =	sld [smem:$0x3FAB]  }
0x28: {  	s2 =	sld [smem:$0x3FAC]  }
0x29: {  	s4 =	sld [smem:$0x3FAE]  }
0x2a: {  	p0 =	seq.s32 s5, $0x0;
	s5 =	sld [smem:$0x3FAF]  }
0x2b: {  	s6 =	sld [smem:$0x3FB0]  }
0x2c: {  	s7 =	sld [smem:$0x3FB1]  }
0x2d: {  	s3 =	simm.s32 $0x108;
	s8 =	sld [smem:$0x3FB2]  }
0x2e: {  	s3 =	simm.s32 @!p0 $0x1082;
	s9 =	sld [smem:$0x3FB3]  }
0x2f: {  	lr =	sadd.s32 s0, s3;
	s0 =	sld [smem:$0x3FAA]  }
0x30: {  	s3 =	sld [smem:$0x3FAD]  }
0x31: {  	[smem:$0x3FB6] =	sst s10  }
0x32: {  	s10 =	sld [smem:$0x3FB4];
	_ =	sdelay $0x3  }
0x33: {  	p0 =	seq.s32 s10, $0x1;
	s10 =	sld [smem:$0x3FB6];
	_ =	sdelay $0x3  }
0x34: {  	[smem:$0x3FB6] =	sst s10  }
0x35: {  	s10 =	sld [smem:$0x3FB5];
	_ =	sdelay $0x3  }
0x36: {  	p1 =	seq.s32 s10, $0x1;
	s10 =	sld [smem:$0x3FB6];
	_ =	sdelay $0x3  }
0x37: {  	[smem:$0x3FB6] =	sst s10  }
0x38: {  	s10 =	sld [smem:$0x3FB7]  }
0x39: {  	_ = 	snop;
	(pc) =	sbr.ind lr, $3  }
0x3a: {  	_ = 	snop  }
0x3b: {  	_ = 	snop  }
0x3c: {  	p2 =	seq.s32 s10, $0x1;
	s10 =	sld [smem:$0x3FB6]  }
0x3d: {  	_ =	shalt  }
0x3e: {  	_ =	shalt  }
0x3f: {  	_ =	shalt  }
0x40: {  	_ =	shalt  }
0x41: {  	_ =	shalt  }
0x42: {  	_ =	shalt  }
0x43: {  	_ =	shalt  }
0x44: {  	_ =	shalt  }
0x45: {  	_ =	shalt  }
0x46: {  	_ =	shalt  }
0x47: {  	_ =	shalt  }
0x48: {  	_ =	shalt  }
0x49: {  	_ =	shalt  }
0x4a: {  	_ =	shalt  }
0x4b: {  	_ =	shalt  }
0x4c: {  	_ =	shalt  }
0x4d: {  	_ =	shalt  }
0x4e: {  	_ =	shalt  }
0x4f: {  	_ =	shalt  }
0x50: {  	_ =	shalt  }
0x51: {  	_ =	shalt  }
0x52: {  	_ =	shalt  }
0x53: {  	_ =	shalt  }
0x54: {  	_ =	shalt  }
0x55: {  	_ =	shalt  }
0x56: {  	_ =	shalt  }
0x57: {  	_ =	shalt  }
0x58: {  	_ =	shalt  }
0x59: {  	_ =	shalt  }
0x5a: {  	_ =	shalt  }
0x5b: {  	_ =	shalt  }
0x5c: {  	_ =	shalt  }
0x5d: {  	_ =	shalt  }
0x5e: {  	_ =	shalt  }
0x5f: {  	_ =	shalt  }
0x60: {  	_ =	shalt  }
0x61: {  	_ =	shalt  }
0x62: {  	_ =	shalt  }
0x63: {  	_ =	shalt  }
0x64: {  	_ =	shalt  }
0x65: {  	_ =	shalt  }
0x66: {  	_ =	shalt  }
0x67: {  	_ =	shalt  }
0x68: {  	_ =	shalt  }
0x69: {  	_ =	shalt  }
0x6a: {  	_ =	shalt  }
0x6b: {  	_ =	shalt  }
0x6c: {  	_ =	shalt  }
0x6d: {  	_ =	shalt  }
0x6e: {  	_ =	shalt  }
0x6f: {  	_ =	shalt  }
0x70: {  	_ =	shalt  }
0x71: {  	_ =	shalt  }
0x72: {  	_ =	shalt  }
0x73: {  	_ =	shalt  }
0x74: {  	_ =	shalt  }
0x75: {  	_ =	shalt  }
0x76: {  	_ =	shalt  }
0x77: {  	_ =	shalt  }
0x78: {  	_ =	shalt  }
0x79: {  	_ =	shalt  }
0x7a: {  	_ =	shalt  }
0x7b: {  	_ =	shalt  }
0x7c: {  	_ =	shalt  }
0x7d: {  	_ =	shalt  }
0x7e: {  	_ =	shalt  }
0x7f: {  	_ =	shalt  }
0x80: {  	_ =	shalt  }
0x81: {  	_ =	shalt  }
0x82: {  	_ =	shalt  }
0x83: {  	_ =	shalt  }
0x84: {  	_ =	shalt  }
0x85: {  	_ =	shalt  }
0x86: {  	_ =	shalt  }
0x87: {  	_ =	shalt  }
.Lfunc_end0:
.L_simem_size_0:
called_computation_lowered:
.L_overlay_start_0:
0x88: {  	s2 =	sld [smem:$0x3FD9]  }
0x89: {  	s3 =	sld [smem:$0x3FFE];
	_ =	sdelay $0x1  }
0x8a: {  	s1 =	srdreg.scid  }
0x8b: {  	s0 =	sand.u32 $0x1, s1  }
0x8c: {  	s17 =	sshll.u32 s0, $0xA;
	s2 =	sadd.s32 s3, s2  }
0x8d: {  	s2 =	sadd.s32 s2, s17  }
0x8e: {  	[smem:$0x3FC2] =	sst s2  }
0x8f: {  	_ = 	snop  }
0x90: {  	s2 =	sld [smem:$0x3FC8];
	(tm) =	ssettm $0x1  }
0x91: {  	s18 =	sld [smem:$0x3FFB];
	_ =	sdelay $0x3  }
0x92: {  	_ =	strace s18  }
0x93: {  	s3 =	sld [smem:$0x3FFC];
	_ =	sdelay $0x3  }
0x94: {  	_ =	strace s3  }
0x95: {  	s3 =	sld [smem:$0x3FFD];
	_ =	sdelay $0x3  }
0x96: {  	_ =	strace s3  }
0x97: {  	_ =	strace $0x8FFFFFFF  }
0x98: {  	s19 =	sld [smem:$0x3FDB];
	_ =	sdelay $0x1  }
0x99: {  	s4 =	simm.s32 $_scs_section_size  }
0x9a: {  	s5 =	simm.s32 $_size__tile_overlayer_lowered;
	s6 =	simm.s32 $_tile_overlayer_lowered  }
0x9b: {  	s22 =	simm.s32 $0x1BFF;
	s21 =	sshll.u32 s6, $0x1;
	s3 =	sadd.s32 s4, s19  }
0x9c: {  	s7 =	simm.s32 $0x0;
	s20 =	sshll.u32 s5, $0x1;
	s5 =	sadd.s32 s21, s3  }
0x9d: {  	[timem:s7], [sflag:s22] =	dma.local [hbm:s5], s20  }
0x9e: {  	_ =	swait.ge [sflag:s22], s20  }
0x9f: {  	s4 =	ssub.s32 $0x0, s20;
	[sflag:s22] =	ssyncset.done $0x0  }
0xa0: {  	[sflag:s22] =	ssyncadd.s32 s4;
	_ =	sdelay $0x1  }
0xa1: {  	s23 =	simm.s32 $0x1B8B  }
0xa2: {  	_ =	swait.ge [sflag:s23], $0x1  }
0xa3: {  	[sflag:s23] =	ssyncset.done $0x0  }
0xa4: {  	s25 =	simm.s32 $0x1B8E;
	s24 =	sld [smem:$0x3FFE];
	[sflag:s23] =	ssyncadd.s32 $0xFFFFFFFF  }
0xa5: {  	s26 =	simm.s32 $execute0_lowered;
	[smem:$0x3FD2] =	sst s25  }
0xa6: {  	s5 =	sshll.u32 s26, $0x1;
	_ =	strace $0x80000046;
	[dreg:$0x1] =	wrdreg $0xFFFFFFFF  }
0xa7: {  	s28 =	simm.s32 $_size_execute0_lowered;
	s3 =	sadd.s32 s3, s5;
	[dreg:$0x0] =	wrdreg $0x0  }
0xa8: {  	s5 =	sshll.u32 s28, $0x1;
	[dreg:$0x2] =	wrdreg s3  }
0xa9: {  	[dreg:$0x3] =	wrdreg s5  }
0xaa: {  	[dreg:$0x4] =	wrdreg $0xC0  }
0xab: {  	_ =	task [dreg:s7], $0x5FFFF  }
0xac: {  	[dreg:$0x1] =	wrdreg $0xFFFFFFFF  }
0xad: {  	[dreg:$0x0] =	wrdreg $0x60  }
0xae: {  	[dreg:$0x2] =	wrdreg s2  }
0xaf: {  	[dreg:$0x3] =	wrdreg s24  }
0xb0: {  	[dreg:$0x4] =	wrdreg $0x9  }
0xb1: {  	_ =	task.clear_ibuf [dreg:s7], $0x5FFFF;
	_ =	strace $0x90000046  }
0xb2: {  	s29 =	simm.s32 $0x9;
	_ =	strace $0x80000048  }
0xb3: {  	_ =	swait.ge [sflag:s29], $0x1  }
0xb4: {  	[sflag:s29] =	ssyncadd.s32 $0xFFFFFFFF  }
0xb5: {  	_ =	strace $0x90000048  }
0xb6: {  	_ =	sfence  }
0xb7: {  	s30 =	sld [smem:$0x0];
	_ =	sdelay $0x2  }
0xb8: {  	s31 =	sshll.u32 s1, $0xD;
	s1 =	sshrl.u32 s1, $0x2  }
0xb9: {  	s3 =	sand.u32 $0x4000, s31;
	s1 =	sadd.s32 s1, s30  }
0xba: {  	s0 =	sor.u32 s3, s0;
	s1 =	sshll.u32 s1, $0x11  }
0xbb: {  	s0 =	sor.u32 s1, s0  }
0xbc: {  	s0 =	sadd.s32 $0x8F2B, s0  }
0xbd: {  	[sflag:s0] =	ssyncadd.remote.s32 $0x1  }
0xbe: {  	_ =	sfence.sel $0xFFFF  }
0xbf: {  	[dreg:$0x0] =	wrdreg $0xFFFFFFFF;
	(pc) =	sbr.abs _section_cstart, $3  }
0xc0: {  	[dreg:$0x1] =	wrdreg $0xFFFFFFFF  }
0xc1: {  	_ =	task.clear_ibuf [dreg:s7], $0x2FFFF;
	_ =	strace $0x9FFFFFFF  }
0xc2: {  	(tm) =	ssettm $0x7FFFFFFF  }
0xc3: {  	_ =	shalt  }
tec
execute0_lowered:
.L_overlay_start_1:
0x0: {  	(tag) =	ssettag $0x1  }
0x1: {  	s6 =	rddreg [dreg:$0x0]  }
0x2: {  	s1 =	rddreg [dreg:$0x1]  }
0x3: {  	s0 =	rddreg [dreg:$0x2]  }
0x4: {  	s3 =	simm.s32 $0x0;
	s4 =	srdreg.scid;
	s2 =	stileid.u32  }
0x5: {  	s12 =	simm.s32 $0x200;
	s13 =	simm.s32 $0x400;
	s14 =	simm.s32 $0x600  }
0x6: {  	s15 =	simm.s32 $0x2;
	s16 =	simm.s32 $0x800;
	s17 =	simm.s32 $0xA00  }
0x7: {  	s18 =	simm.s32 $0xC00;
	s19 =	simm.s32 $0x1;
	s20 =	simm.s32 $0x0  }
0x8: {  	[smem:$0x7FF] =	sst s3;
	s4 =	sand.u32 $0x1, s4;
	s5 =	sshll.u32 s2, $0x7  }
0x9: {  	_ =	strace $0x80000047;
	s7 =	sshll.u32 s4, $0x6;
	s8 =	ssub.s32 $0x2, s4  }
0xa: {  	s4 =	sadd.s32 $0x3200, s1;
	s7 =	sor.u32 s7, s5;
	s9 =	sshrl.u32 s8, $0x1  }
0xb: {  	s5 =	sadd.s32 $0x6400, s1;
	s10 =	sadd.s32 s7, s1;
	s11 =	ssub.s32 s8, s9  }
0xc: {  	s6 =	sadd.s32 s6, s7;
	s7 =	sadd.s32 $0x9600, s10;
	s8 =	sadd.s32 $0x9E00, s10  }
0xd: {  	s9 =	sadd.s32 $0xA600, s10;
	s10 =	smax.u32 s11, $0x1;
	s11 =	simm.s32 $0x3  }
.LBB2_1:
0xe: {  	[tilespmem:s3], [sflag:$0x3] =	stream.linear.gather [hbm4b:s6+s3], $0x200, $0x38;
	[tilespmem:$0xE00] =	vst v63  }
0xf: {  	_ =	swait.ge [sflag:s11], $0x200  }
0x10: {  	[sflag:s11] =	ssyncset.done $0x0  }
0x11: {  	[sflag:s11] =	ssyncadd.s32 $0xFFFFFE00  }
0x12: {  	[tilespmem:s12], [sflag:$0x2] =	stream.indirect.gather [hbm4b:s1+s12], $0x1, s3, s12, $0xb8;
	[tilespmem:$0xE00] =	vst v63  }
0x13: {  	_ = 	snop  }
0x14: {  	[tilespmem:s13], [sflag:$0x2] =	stream.indirect.gather [hbm4b:s4+s12], $0x1, s3, s12, $0xb8;
	[tilespmem:$0xE00] =	vst v63  }
0x15: {  	_ = 	snop  }
0x16: {  	[tilespmem:s14], [sflag:$0x2] =	stream.indirect.gather [hbm4b:s5+s12], $0x1, s3, s12, $0xb8;
	[tilespmem:$0xE00] =	vst v63  }
0x17: {  	_ =	swait.ge [sflag:s15], $0x200  }
0x18: {  	[sflag:s15] =	ssyncset.done $0x0  }
0x19: {  	[sflag:s15] =	ssyncadd.s32 $0xFFFFFE00  }
0x1a: {  	_ =	swait.ge [sflag:s15], $0x200  }
0x1b: {  	[sflag:s15] =	ssyncset.done $0x0  }
0x1c: {  	[sflag:s15] =	ssyncadd.s32 $0xFFFFFE00  }
0x1d: {  	_ =	swait.ge [sflag:s15], $0x200  }
0x1e: {  	[sflag:s15] =	ssyncset.done $0x0  }
0x1f: {  	s23 =	simm.s32 $0x0;
	[sflag:s15] =	ssyncadd.s32 $0xFFFFFE00  }
0x20: {  	v0 =	vld [tilespmem:s23+$0x200]  }
0x21: {  	v1 =	vld [tilespmem:s23+$0x400];
	_ =	sdelay $0x3  }
0x22: {  	v2 =	vld [tilespmem:s23+$0x600];
	v0 =	vsub.f32 $0.0e+00, v0  }
0x23: {  	s21 =	simm.s32 $0x10;
	v1 =	vsub.f32 $0.0e+00, v1  }
0x24: {  	v3 =	vld [tilespmem:s21+$0x200];
	v0 =	vmul.f32 $1.442695020e+00, v0  }
0x25: {  	v4 =	vld [tilespmem:s21+$0x400];
	v1 =	vmul.f32 $1.442695020e+00, v1  }
0x26: {  	(erf) = vpow2.f32 v0  }
0x27: {  	v0 =	vsub.f32 $0.0e+00, v2;
	(erf) = vpow2.f32 v1;
	v1 =	vld [tilespmem:s21+$0x600];
	_ =	sdelay $0x1  }
0x28: {  	s22 =	simm.s32 $0x20;
	v2 =	vsub.f32 $0.0e+00, v3;
	v0 =	vmul.f32 $1.442695020e+00, v0  }
0x29: {  	v3 =	vsub.f32 $0.0e+00, v4;
	v4 =	vld [tilespmem:s22+$0x400]  }
0x2a: {  	v2 =	vmul.f32 $1.442695020e+00, v2;
	(erf) = vpow2.f32 v0;
	v0 =	vld [tilespmem:s22+$0x200]  }
0x2b: {  	v3 =	vmul.f32 $1.442695020e+00, v3;
	v1 =	vsub.f32 $0.0e+00, v1  }
0x2c: {  	(erf) = vpow2.f32 v2  }
0x2d: {  	v5 =	vld [tilespmem:s22+$0x600];
	v1 =	vmul.f32 $1.442695020e+00, v1  }
0x2e: {  	(erf) = vpow2.f32 v3;
	v2 =	vpop (erf)  }
0x2f: {  	v0 =	vsub.f32 $0.0e+00, v0;
	v3 =	vpop (erf);
	(erf) = vpow2.f32 v1;
	v1 =	vsub.f32 $0.0e+00, v4  }
0x30: {  	s24 =	simm.s32 $0x30;
	v2 =	vadd.f32 $1.000000000e+00, v2;
	v3 =	vadd.f32 $1.000000000e+00, v3  }
0x31: {  	v4 =	vld [tilespmem:s24+$0x200];
	v1 =	vmul.f32 $1.442695020e+00, v1  }
0x32: {  	v5 =	vsub.f32 $0.0e+00, v5;
	v0 =	vmul.f32 $1.442695020e+00, v0;
	(erf) = vrcp.f32 v2;
	v2 =	vld [tilespmem:s24+$0x400]  }
0x33: {  	v6 =	vld [tilespmem:s24+$0x600];
	(erf) = vrcp.f32 v3  }
0x34: {  	v5 =	vmul.f32 $1.442695020e+00, v5;
	(erf) = vpow2.f32 v0;
	v3 =	vpop (erf)  }
0x35: {  	(erf) = vpow2.f32 v1;
	v0 =	vadd.f32 $1.000000000e+00, v3;
	v1 =	vpop (erf)  }
0x36: {  	(erf) = vpow2.f32 v5;
	v3 =	vsub.f32 $0.0e+00, v4;
	v1 =	vadd.f32 $1.000000000e+00, v1  }
0x37: {  	v4 =	vpop (erf);
	(erf) = vrcp.f32 v0;
	v0 =	vsub.f32 $0.0e+00, v2  }
0x38: {  	v5 =	vsub.f32 $0.0e+00, v6;
	v2 =	vadd.f32 $1.000000000e+00, v4;
	v3 =	vmul.f32 $1.442695020e+00, v3  }
0x39: {  	(erf) = vrcp.f32 v1;
	v0 =	vmul.f32 $1.442695020e+00, v0  }
0x3a: {  	v1 =	vpop (erf);
	(erf) = vrcp.f32 v2;
	v2 =	vmul.f32 $1.442695020e+00, v5  }
0x3b: {  	s25 =	simm.s32 $0x40  }
0x3c: {  	v4 =	vld [tilespmem:s25+$0x200];
	(erf) = vpow2.f32 v3;
	v3 =	vpop (erf)  }
0x3d: {  	v6 =	vld [tilespmem:s25+$0x400];
	v1 =	vadd.f32 $1.000000000e+00, v1;
	(erf) = vpow2.f32 v0;
	v0 =	vpop (erf)  }
0x3e: {  	v7 =	vld [tilespmem:s25+$0x600];
	(erf) = vpow2.f32 v2;
	v2 =	vpop (erf)  }
0x3f: {  	v0 =	vadd.f32 $-5.000000000e-01, v0;
	(erf) = vrcp.f32 v1;
	v10 =	vadd.f32 $1.000000000e+00, v2  }
0x40: {  	v8 =	vmul.f32 $1.702000020e+00, v3  }
0x41: {  	v9 =	vsub.f32 $0.0e+00, v4;
	v2 =	vpop (erf);
	(erf) = vrcp.f32 v10  }
0x42: {  	s26 =	simm.s32 $0x50;
	v5 =	vsub.f32 $0.0e+00, v6;
	[tilespmem:s23+$0x800] =	vst v8;
	v4 =	vadd.f32 $1.000000000e+00, v2;
	v3 =	vpop (erf);
	v2 =	vmul.f32 v0, v8  }
0x43: {  	s28 =	simm.s32 $0x180;
	v7 =	vsub.f32 $0.0e+00, v7;
	v6 =	vmul.f32 $1.442695020e+00, v9;
	v1 =	vld [tilespmem:s26+$0x200];
	v0 =	vpop (erf)  }
.LBB2_2:
0x44: {  	p0 =	sne.s32 s28, $0x7C0;
	v8 =	vld [tilespmem:s26+$0x400];
	v5 =	vmul.f32 $1.442695020e+00, v5;
	v3 =	vadd.f32 $1.000000000e+00, v3;
	(erf) = vrcp.f32 v4;
	[tilespmem:s23+$0xA00] =	vst v2  }
0x45: {  	v9 =	vld [tilespmem:s26+$0x600];
	v7 =	vmul.f32 $1.442695020e+00, v7;
	(erf) = vpow2.f32 v6;
	v4 =	vpop (erf);
	[tilespmem:s23+$0xC00] =	vst v0;
	s23 =	smov.u32 s21;
	s21 =	smov.u32 s22;
	s22 =	smov.u32 s24  }
.Ltmp0:
0x46: {  	s24 =	smov.u32 s25;
	s25 =	smov.u32 s26;
	(erf) = vpow2.f32 v5;
	v0 =	vpop (erf);
	(pc) =	sbr.rel @p0 .LBB2_2-.Ltmp0, $4  }
0x47: {  	v6 =	vmul.f32 $1.702000020e+00, v4;
	(erf) = vpow2.f32 v7;
	v2 =	vpop (erf);
	v11 =	vadd.f32 $-5.000000000e-01, v0  }
0x48: {  	v7 =	vsub.f32 $0.0e+00, v1;
	v10 =	vadd.f32 $1.000000000e+00, v2;
	v1 =	vpop (erf);
	(erf) = vrcp.f32 v3  }
0x49: {  	s26 =	sshra.s32 s28, $0x2;
	v5 =	vsub.f32 $0.0e+00, v8;
	v4 =	vadd.f32 $1.000000000e+00, v1;
	v2 =	vmul.f32 v11, v6;
	v3 =	vpop (erf);
	[tilespmem:s23+$0x800] =	vst v6  }
0x4a: {  	s28 =	sadd.s32 $0x40, s28;
	v6 =	vmul.f32 $1.442695020e+00, v7;
	v7 =	vsub.f32 $0.0e+00, v9;
	v1 =	vld [tilespmem:s26+$0x200];
	(erf) = vrcp.f32 v10;
	v0 =	vpop (erf)  }
0x4b: {  	v8 =	vld [tilespmem:s26+$0x400]  }
0x4c: {  	v5 =	vmul.f32 $1.442695020e+00, v5;
	(erf) = vrcp.f32 v4;
	v27 =	vpop (erf)  }
0x4d: {  	[tilespmem:s23+$0xA00] =	vst v2;
	v7 =	vmul.f32 $1.442695020e+00, v7;
	(erf) = vpow2.f32 v6;
	v28 =	vpop (erf)  }
0x4e: {  	v3 =	vadd.f32 $1.000000000e+00, v3;
	v32 =	vld [tilespmem:s26+$0x600];
	(erf) = vpow2.f32 v5;
	v29 =	vpop (erf)  }
0x4f: {  	(erf) = vpow2.f32 v7;
	v1 =	vsub.f32 $0.0e+00, v1;
	v30 =	vadd.f32 $1.000000000e+00, v29;
	v31 =	vpop (erf)  }
0x50: {  	(erf) = vrcp.f32 v3;
	v33 =	vsub.f32 $0.0e+00, v8;
	v5 =	vadd.f32 $1.000000000e+00, v31  }
0x51: {  	v1 =	vmul.f32 $1.442695020e+00, v1;
	(erf) = vrcp.f32 v30  }
0x52: {  	v34 =	vpop (erf);
	v3 =	vmul.f32 $1.442695020e+00, v33;
	(erf) = vrcp.f32 v5  }
0x53: {  	v35 =	vpop (erf);
	v37 =	vsub.f32 $0.0e+00, v32;
	(erf) = vpow2.f32 v1  }
0x54: {  	v36 =	vpop (erf);
	(erf) = vpow2.f32 v3  }
0x55: {  	v38 =	vpop (erf);
	v3 =	vmul.f32 $1.442695020e+00, v37  }
0x56: {  	v39 =	vpop (erf)  }
0x57: {  	v9 =	vpop (erf);
	(erf) = vpow2.f32 v3  }
0x58: {  	v10 =	vpop (erf)  }
0x59: {  	v2 =	vadd.f32 $1.000000000e+00, v34;
	v41 =	vpop (erf)  }
0x5a: {  	v40 =	vadd.f32 $1.000000000e+00, v39;
	v43 =	vpop (erf)  }
0x5b: {  	(erf) = vrcp.f32 v2;
	v42 =	vadd.f32 $1.000000000e+00, v9;
	v45 =	vpop (erf)  }
0x5c: {  	v4 =	vmul.f32 $1.702000020e+00, v27;
	(erf) = vrcp.f32 v40;
	v44 =	vadd.f32 $1.000000000e+00, v10;
	v46 =	vpop (erf)  }
0x5d: {  	v6 =	vadd.f32 $-5.000000000e-01, v28;
	(erf) = vrcp.f32 v42;
	v2 =	vadd.f32 $1.000000000e+00, v46;
	v47 =	vpop (erf)  }
0x5e: {  	(erf) = vrcp.f32 v44;
	v3 =	vadd.f32 $1.000000000e+00, v47  }
0x5f: {  	[tilespmem:s23+$0xC00] =	vst v0;
	v48 =	vmul.f32 v6, v4;
	(erf) = vrcp.f32 v2  }
0x60: {  	[tilespmem:s21+$0x800] =	vst v4;
	v50 =	vpop (erf);
	(erf) = vrcp.f32 v3  }
0x61: {  	[tilespmem:s21+$0xA00] =	vst v48;
	v1 =	vmul.f32 $1.702000020e+00, v36;
	v49 =	vadd.f32 $-5.000000000e-01, v38;
	v0 =	vadd.f32 $1.000000000e+00, v50  }
0x62: {  	[tilespmem:s21+$0xC00] =	vst v35;
	v51 =	vmul.f32 $1.702000020e+00, v43  }
0x63: {  	[tilespmem:s22+$0x800] =	vst v1;
	v52 =	vadd.f32 $-5.000000000e-01, v45;
	v2 =	vmul.f32 v49, v1;
	(erf) = vrcp.f32 v0  }
0x64: {  	[tilespmem:s22+$0xC00] =	vst v41;
	v53 =	vpop (erf)  }
0x65: {  	v55 =	vmul.f32 v52, v51;
	[tilespmem:s22+$0xA00] =	vst v2;
	v54 =	vpop (erf)  }
0x66: {  	v56 =	vpop (erf);
	[tilespmem:s24+$0x800] =	vst v51  }
0x67: {  	v57 =	vmul.f32 $1.702000020e+00, v54;
	[tilespmem:s24+$0xA00] =	vst v55;
	v58 =	vadd.f32 $-5.000000000e-01, v56;
	v59 =	vpop (erf)  }
0x68: {  	[tilespmem:s24+$0xC00] =	vst v53;
	v60 =	vpop (erf)  }
0x69: {  	[tilespmem:s25+$0x800] =	vst v57;
	v2 =	vmul.f32 v58, v57;
	v61 =	vpop (erf)  }
0x6a: {  	[tilespmem:s25+$0xC00] =	vst v59;
	v0 =	vmul.f32 $1.702000020e+00, v60;
	v62 =	vadd.f32 $-5.000000000e-01, v61  }
0x6b: {  	[tilespmem:s25+$0xA00] =	vst v2  }
0x6c: {  	[tilespmem:s26+$0x800] =	vst v0;
	v63 =	vpop (erf);
	v1 =	vmul.f32 v62, v0  }
0x6d: {  	[tilespmem:s26+$0xC00] =	vst v63  }
0x6e: {  	[tilespmem:s26+$0xA00] =	vst v1  }
0x6f: {  	[hbm4b:s7+s3] =	stream.linear.scatter [tilespmem:s16], [sflag:$0x1], $0x200, $0x38;
	[tilespmem:$0xE00] =	vst v63  }
0x70: {  	_ = 	snop  }
0x71: {  	[hbm4b:s8+s3] =	stream.linear.scatter [tilespmem:s17], [sflag:$0x1], $0x200, $0x38;
	[tilespmem:$0xE00] =	vst v63  }
0x72: {  	_ = 	snop  }
0x73: {  	[hbm4b:s9+s3] =	stream.linear.scatter [tilespmem:s18], [sflag:$0x1], $0x200, $0x38;
	[tilespmem:$0xE00] =	vst v63  }
0x74: {  	_ =	swait.ge [sflag:s19], $0x200  }
0x75: {  	[sflag:s19] =	ssyncset.done $0x0  }
0x76: {  	s20 =	sadd.s32 $0x1, s20;
	[sflag:s19] =	ssyncadd.s32 $0xFFFFFE00  }
0x77: {  	p0 =	sne.s32 s20, s10;
	_ =	swait.ge [sflag:s19], $0x200  }
.Ltmp1:
0x78: {  	[sflag:s19] =	ssyncset.done $0x0;
	(pc) =	sbr.rel @p0 .LBB2_1-.Ltmp1, $4  }
0x79: {  	[sflag:s19] =	ssyncadd.s32 $0xFFFFFE00  }
0x7a: {  	_ =	swait.ge [sflag:s19], $0x200  }
0x7b: {  	[sflag:s19] =	ssyncset.done $0x0  }
0x7c: {  	[sflag:s19] =	ssyncadd.s32 $0xFFFFFE00  }
0x7d: {  	_ =	sfence.sel $0x180000  }
0x7e: {  	[bflag:$0x0] =	sbarrier.arrive $0xFFFF  }
0x7f: {  	p0 =	sne.s32 s2, $0x0;
	_ =	strace $0x90000047  }
0x80: {  	s0 =	sadd.s32 @!p0 $0x100000, s0;
	[bflag:$0x2] =	sbarrier.arrive $0xFFFF  }
0x81: {  	[sflag:s0] =	ssyncadd.tile.s32 @!p0 $0x1;
	_ =	shalt  }
.Lfunc_end2:
_tile_overlayer_lowered:
.L_overlay_start_2:
0x82: {  	(tag) =	ssettag $0x2  }
0x83: {  	s0 =	rddreg [dreg:$0x0];
	s2 =	stileid.u32  }
0x84: {  	s1 =	rddreg [dreg:$0x1];
	p0 =	sne.s32 s2, $0x0  }
0x85: {  	s3 =	rddreg [dreg:$0x2];
	[bflag:$0x3] =	sbarrier.arrive $0xFFFF;
	s2 =	simm.s32 @!p0 $0x1C03  }
0x86: {  	[timem:s3], [sflag:s2] =	dma.local @!p0 [hbm:s0], s1  }
0x87: {  	s0 =	simm.s32 @!p0 $0x3  }
0x88: {  	_ =	swait.ge @!p0 [sflag:s0], s1  }
0x89: {  	s1 =	ssub.s32 @!p0 $0x0, s1;
	[sflag:s0] =	ssyncset.done @!p0 $0x0  }
0x8a: {  	[sflag:s0] =	ssyncadd.s32 @!p0 s1  }
0x8b: {  	[bflag:$0x3] =	sbarrier.arrive $0xFFFF  }
0x8c: {  	_ =	shalt  }

// kernel: kernel.7.cloned.1.call-start
scs
__scs_entry_jumppad:
0x0: {  	(pc) =	sbr.rel $0x88, $3  }
0x1: {  	(tag) =	ssettag $0x0;
	lr =	simm.s32 $0x1  }
0x2: {  	[smem:$0x3F9B] =	sst lr;
	_ =	strace $0xD0000000  }
0x3: {  	_ = 	snop  }
0x4: {  	_ = 	snop  }
0x5: {  	_ = 	snop  }
0x6: {  	_ = 	snop  }
0x7: {  	_ = 	snop  }
__scs_overlays_trampoline_lowered:
0x8: {  	[smem:$0x3FAA] =	sst s0  }
0x9: {  	[smem:$0x3FAB] =	sst s1  }
0xa: {  	[smem:$0x3FAC] =	sst s2  }
0xb: {  	[smem:$0x3FAD] =	sst s3  }
0xc: {  	[smem:$0x3FAE] =	sst s4  }
0xd: {  	[smem:$0x3FAF] =	sst s5  }
0xe: {  	[smem:$0x3FB0] =	sst s6  }
0xf: {  	[smem:$0x3FB1] =	sst s7  }
0x10: {  	[smem:$0x3FB2] =	sst s8  }
0x11: {  	[smem:$0x3FB3] =	sst s9;
	s0 =	simm.s32 @!p0 $0x0  }
0x12: {  	s1 =	sld [smem:$0x3F99];
	s0 =	simm.s32 @p0 $0x1  }
0x13: {  	[smem:$0x3FB4] =	sst s0;
	s0 =	simm.s32 @!p1 $0x0  }
0x14: {  	s2 =	sld [smem:$0x3F98];
	s0 =	simm.s32 @p1 $0x1  }
0x15: {  	[smem:$0x3FB5] =	sst s0;
	s0 =	simm.s32 @!p2 $0x0  }
0x16: {  	s3 =	sld [smem:$0x3FDB];
	s0 =	simm.s32 @p2 $0x1  }
0x17: {  	s4 =	simm.s32 $0x1BF5;
	[smem:$0x3FB7] =	sst s0  }
0x18: {  	s0 =	sld [smem:$0x3F9A];
	_ =	swait.ge [sflag:s4], $0x0  }
0x19: {  	s7 =	sld [smem:$0x3F9B]  }
0x1a: {  	s8 =	sadd.s32 $0xFFFFE003, lr  }
0x1b: {  	s9 =	sadd.s32 $0xFFFFFEF7, lr;
	s5 =	simm.s32 $0xFFFFFFFF;
	p2 =	slt.u32 s8, $0xFFFFF086  }
0x1c: {  	p1 =	slt.u32 s9, $0xF7A;
	s5 =	simm.s32 @!p2 $0x0  }
0x1d: {  	s5 =	simm.s32 @p1 $0x1;
	p0 =	seq.s32 s7, s2  }
0x1e: {  	s7 =	smul.u32 @!p0 $0xF7A, s2;
	p2 =	seq.s32 @!p0 s5, $0x0  }
0x1f: {  	s9 =	smul.u32 $0xF7A, s1;
	s8 =	simm.s32 @!p0 $0x1BF5;
	p2 =	por !p2, p0  }
0x20: {  	[sflag:s8] =	ssyncset.s32 @!p0 $0xFFFFF086;
	s6 =	sadd.s32 @!p0 s3, s7;
	s7 =	simm.s32 @!p0 $0x108  }
0x21: {  	s3 =	sadd.s32 s3, s9;
	s6 =	sadd.s32 @!p0 $0x88, s6;
	s7 =	simm.s32 @p2 $0x1082  }
0x22: {  	[simem:s7], [sflag:s8] =	dma.local @!p0 [hbm:s6], $0xF7A  }
0x23: {  	s9 =	sor.u32 $0xD0000000, s2;
	s6 =	simm.s32 $0x108;
	_ =	swait.ge @!p0 [sflag:s8], $0x0  }
0x24: {  	s3 =	sadd.s32 $0x88, s3;
	s6 =	simm.s32 @!p1 $0x1082;
	[sflag:s4] =	ssyncset.s32 $0xFFFFF086  }
0x25: {  	[simem:s6], [sflag:s4] =	dma.local [hbm:s3], $0xF7A  }
0x26: {  	[smem:$0x3F9B] =	sst s1;
	(tag) =	ssettag s2;
	_ =	strace s9  }
0x27: {  	s1 =	sld [smem:$0x3FAB]  }
0x28: {  	s2 =	sld [smem:$0x3FAC]  }
0x29: {  	s4 =	sld [smem:$0x3FAE]  }
0x2a: {  	p0 =	seq.s32 s5, $0x0;
	s5 =	sld [smem:$0x3FAF]  }
0x2b: {  	s6 =	sld [smem:$0x3FB0]  }
0x2c: {  	s7 =	sld [smem:$0x3FB1]  }
0x2d: {  	s3 =	simm.s32 $0x108;
	s8 =	sld [smem:$0x3FB2]  }
0x2e: {  	s3 =	simm.s32 @!p0 $0x1082;
	s9 =	sld [smem:$0x3FB3]  }
0x2f: {  	lr =	sadd.s32 s0, s3;
	s0 =	sld [smem:$0x3FAA]  }
0x30: {  	s3 =	sld [smem:$0x3FAD]  }
0x31: {  	[smem:$0x3FB6] =	sst s10  }
0x32: {  	s10 =	sld [smem:$0x3FB4];
	_ =	sdelay $0x3  }
0x33: {  	p0 =	seq.s32 s10, $0x1;
	s10 =	sld [smem:$0x3FB6];
	_ =	sdelay $0x3  }
0x34: {  	[smem:$0x3FB6] =	sst s10  }
0x35: {  	s10 =	sld [smem:$0x3FB5];
	_ =	sdelay $0x3  }
0x36: {  	p1 =	seq.s32 s10, $0x1;
	s10 =	sld [smem:$0x3FB6];
	_ =	sdelay $0x3  }
0x37: {  	[smem:$0x3FB6] =	sst s10  }
0x38: {  	s10 =	sld [smem:$0x3FB7]  }
0x39: {  	_ = 	snop;
	(pc) =	sbr.ind lr, $3  }
0x3a: {  	_ = 	snop  }
0x3b: {  	_ = 	snop  }
0x3c: {  	p2 =	seq.s32 s10, $0x1;
	s10 =	sld [smem:$0x3FB6]  }
0x3d: {  	_ =	shalt  }
0x3e: {  	_ =	shalt  }
0x3f: {  	_ =	shalt  }
0x40: {  	_ =	shalt  }
0x41: {  	_ =	shalt  }
0x42: {  	_ =	shalt  }
0x43: {  	_ =	shalt  }
0x44: {  	_ =	shalt  }
0x45: {  	_ =	shalt  }
0x46: {  	_ =	shalt  }
0x47: {  	_ =	shalt  }
0x48: {  	_ =	shalt  }
0x49: {  	_ =	shalt  }
0x4a: {  	_ =	shalt  }
0x4b: {  	_ =	shalt  }
0x4c: {  	_ =	shalt  }
0x4d: {  	_ =	shalt  }
0x4e: {  	_ =	shalt  }
0x4f: {  	_ =	shalt  }
0x50: {  	_ =	shalt  }
0x51: {  	_ =	shalt  }
0x52: {  	_ =	shalt  }
0x53: {  	_ =	shalt  }
0x54: {  	_ =	shalt  }
0x55: {  	_ =	shalt  }
0x56: {  	_ =	shalt  }
0x57: {  	_ =	shalt  }
0x58: {  	_ =	shalt  }
0x59: {  	_ =	shalt  }
0x5a: {  	_ =	shalt  }
0x5b: {  	_ =	shalt  }
0x5c: {  	_ =	shalt  }
0x5d: {  	_ =	shalt  }
0x5e: {  	_ =	shalt  }
0x5f: {  	_ =	shalt  }
0x60: {  	_ =	shalt  }
0x61: {  	_ =	shalt  }
0x62: {  	_ =	shalt  }
0x63: {  	_ =	shalt  }
0x64: {  	_ =	shalt  }
0x65: {  	_ =	shalt  }
0x66: {  	_ =	shalt  }
0x67: {  	_ =	shalt  }
0x68: {  	_ =	shalt  }
0x69: {  	_ =	shalt  }
0x6a: {  	_ =	shalt  }
0x6b: {  	_ =	shalt  }
0x6c: {  	_ =	shalt  }
0x6d: {  	_ =	shalt  }
0x6e: {  	_ =	shalt  }
0x6f: {  	_ =	shalt  }
0x70: {  	_ =	shalt  }
0x71: {  	_ =	shalt  }
0x72: {  	_ =	shalt  }
0x73: {  	_ =	shalt  }
0x74: {  	_ =	shalt  }
0x75: {  	_ =	shalt  }
0x76: {  	_ =	shalt  }
0x77: {  	_ =	shalt  }
0x78: {  	_ =	shalt  }
0x79: {  	_ =	shalt  }
0x7a: {  	_ =	shalt  }
0x7b: {  	_ =	shalt  }
0x7c: {  	_ =	shalt  }
0x7d: {  	_ =	shalt  }
0x7e: {  	_ =	shalt  }
0x7f: {  	_ =	shalt  }
0x80: {  	_ =	shalt  }
0x81: {  	_ =	shalt  }
0x82: {  	_ =	shalt  }
0x83: {  	_ =	shalt  }
0x84: {  	_ =	shalt  }
0x85: {  	_ =	shalt  }
0x86: {  	_ =	shalt  }
0x87: {  	_ =	shalt  }
.Lfunc_end0:
.L_simem_size_0:
called_computation.1_lowered:
.L_overlay_start_0:
0x88: {  	s2 =	sld [smem:$0x3FD9]  }
0x89: {  	s3 =	sld [smem:$0x3FFE];
	_ =	sdelay $0x1  }
0x8a: {  	s1 =	srdreg.scid  }
0x8b: {  	s0 =	sand.u32 $0x1, s1  }
0x8c: {  	s17 =	sshll.u32 s0, $0xA;
	s2 =	sadd.s32 s3, s2  }
0x8d: {  	s2 =	sadd.s32 s2, s17  }
0x8e: {  	[smem:$0x3FC2] =	sst s2  }
0x8f: {  	_ = 	snop  }
0x90: {  	s2 =	sld [smem:$0x3FC9]  }
0x91: {  	s18 =	sld [smem:$0x3FD0];
	(tm) =	ssettm $0x1  }
0x92: {  	s4 =	sld [smem:$0x3FFB];
	_ =	sdelay $0x3  }
0x93: {  	_ =	strace s4  }
0x94: {  	s4 =	sld [smem:$0x3FFC];
	_ =	sdelay $0x3  }
0x95: {  	_ =	strace s4  }
0x96: {  	s4 =	sld [smem:$0x3FFD];
	_ =	sdelay $0x3  }
0x97: {  	_ =	strace s4  }
0x98: {  	_ =	strace $0x8FFFFFFF  }
0x99: {  	s19 =	sld [smem:$0x3FDB];
	_ =	sdelay $0x1  }
0x9a: {  	s5 =	simm.s32 $_scs_section_size  }
0x9b: {  	s6 =	simm.s32 $_size__tile_overlayer_lowered;
	s7 =	simm.s32 $_tile_overlayer_lowered  }
0x9c: {  	s22 =	simm.s32 $0x1BFF;
	s21 =	sshll.u32 s7, $0x1;
	s4 =	sadd.s32 s5, s19  }
0x9d: {  	s8 =	simm.s32 $0x0;
	s20 =	sshll.u32 s6, $0x1;
	s6 =	sadd.s32 s21, s4  }
0x9e: {  	[timem:s8], [sflag:s22] =	dma.local [hbm:s6], s20  }
0x9f: {  	_ =	swait.ge [sflag:s22], s20  }
0xa0: {  	s5 =	ssub.s32 $0x0, s20;
	[sflag:s22] =	ssyncset.done $0x0  }
0xa1: {  	[sflag:s22] =	ssyncadd.s32 s5;
	_ =	sdelay $0x1  }
0xa2: {  	s23 =	simm.s32 $0x1B8B  }
0xa3: {  	_ =	swait.ge [sflag:s23], $0x1  }
0xa4: {  	[sflag:s23] =	ssyncset.done $0x0  }
0xa5: {  	s25 =	simm.s32 $0x1B8E;
	s24 =	sld [smem:$0x3FFE];
	[sflag:s23] =	ssyncadd.s32 $0xFFFFFFFF  }
0xa6: {  	s26 =	simm.s32 $execute0_lowered;
	[smem:$0x3FD2] =	sst s25  }
0xa7: {  	s6 =	sshll.u32 s26, $0x1;
	_ =	strace $0x80000049;
	[dreg:$0x1] =	wrdreg $0xFFFFFFFF  }
0xa8: {  	s28 =	simm.s32 $_size_execute0_lowered;
	s4 =	sadd.s32 s4, s6;
	[dreg:$0x0] =	wrdreg $0x0  }
0xa9: {  	s6 =	sshll.u32 s28, $0x1;
	[dreg:$0x2] =	wrdreg s4  }
0xaa: {  	[dreg:$0x3] =	wrdreg s6  }
0xab: {  	[dreg:$0x4] =	wrdreg $0xC0  }
0xac: {  	_ =	task [dreg:s8], $0x5FFFF  }
0xad: {  	[dreg:$0x1] =	wrdreg $0xFFFFFFFF  }
0xae: {  	[dreg:$0x0] =	wrdreg $0x60  }
0xaf: {  	[dreg:$0x2] =	wrdreg s2  }
0xb0: {  	[dreg:$0x3] =	wrdreg s24  }
0xb1: {  	[dreg:$0x4] =	wrdreg s18  }
0xb2: {  	[dreg:$0x5] =	wrdreg $0x9  }
0xb3: {  	_ =	task.clear_ibuf [dreg:s8], $0x6FFFF;
	_ =	strace $0x90000049  }
0xb4: {  	s29 =	simm.s32 $0x9;
	_ =	strace $0x8000004B  }
0xb5: {  	_ =	swait.ge [sflag:s29], $0x1  }
0xb6: {  	[sflag:s29] =	ssyncadd.s32 $0xFFFFFFFF  }
0xb7: {  	_ =	strace $0x9000004B  }
0xb8: {  	_ =	sfence  }
0xb9: {  	s30 =	sld [smem:$0x0];
	_ =	sdelay $0x2  }
0xba: {  	s31 =	sshll.u32 s1, $0xD;
	s1 =	sshrl.u32 s1, $0x2  }
0xbb: {  	s3 =	sand.u32 $0x4000, s31;
	s1 =	sadd.s32 s1, s30  }
0xbc: {  	s0 =	sor.u32 s3, s0;
	s1 =	sshll.u32 s1, $0x11  }
0xbd: {  	s0 =	sor.u32 s1, s0  }
0xbe: {  	s0 =	sadd.s32 $0x8F2B, s0  }
0xbf: {  	[sflag:s0] =	ssyncadd.remote.s32 $0x1  }
0xc0: {  	_ =	sfence.sel $0xFFFF  }
0xc1: {  	[dreg:$0x0] =	wrdreg $0xFFFFFFFF;
	(pc) =	sbr.abs _section_cstart, $3  }
0xc2: {  	[dreg:$0x1] =	wrdreg $0xFFFFFFFF  }
0xc3: {  	_ =	task.clear_ibuf [dreg:s8], $0x2FFFF;
	_ =	strace $0x9FFFFFFF  }
0xc4: {  	(tm) =	ssettm $0x7FFFFFFF  }
0xc5: {  	_ =	shalt  }
tec
execute0_lowered:
.L_overlay_start_1:
0x0: {  	(tag) =	ssettag $0x1  }
0x1: {  	s4 =	rddreg [dreg:$0x0]  }
0x2: {  	s5 =	rddreg [dreg:$0x1]  }
0x3: {  	s8 =	rddreg [dreg:$0x2];
	s2 =	simm.s32 $0x0;
	s3 =	srdreg.scid  }
0x4: {  	s0 =	stileid.u32;
	s11 =	simm.s32 $0x200;
	s12 =	simm.s32 $0x400  }
0x5: {  	s13 =	simm.s32 $0x600;
	s14 =	simm.s32 $0x800;
	s15 =	simm.s32 $0x2  }
0x6: {  	s16 =	simm.s32 $0x1;
	s17 =	simm.s32 $0xA00;
	s18 =	simm.s32 $0x0  }
0x7: {  	[smem:$0x7FF] =	sst s2;
	s3 =	sand.u32 $0x1, s3;
	s6 =	sshll.u32 s0, $0x7  }
0x8: {  	s7 =	sshll.u32 s3, $0x6;
	s9 =	ssub.s32 $0x2, s3;
	_ =	strace $0x8000004A  }
0x9: {  	s3 =	sadd.s32 $0xAE00, s5;
	s10 =	sor.u32 s7, s6;
	s31 =	sshrl.u32 s9, $0x1  }
0xa: {  	s7 =	sadd.s32 s10, s5;
	s9 =	ssub.s32 s9, s31;
	s4 =	sadd.s32 s4, s10  }
0xb: {  	s8 =	sadd.s32 s8, s10;
	s10 =	simm.s32 $0x3;
	s5 =	sadd.s32 $0x9600, s7  }
0xc: {  	s6 =	sadd.s32 $0x9E00, s7;
	s7 =	sadd.s32 $0xA600, s7;
	s9 =	smax.u32 s9, $0x1  }
.LBB2_1:
0xd: {  	[tilespmem:s2], [sflag:$0x3] =	stream.linear.gather [hbm4b:s4+s2], $0x200, $0x38;
	[tilespmem:$0xC00] =	vst v63  }
0xe: {  	_ =	swait.ge [sflag:s10], $0x200  }
0xf: {  	[sflag:s10] =	ssyncset.done $0x0  }
0x10: {  	[sflag:s10] =	ssyncadd.s32 $0xFFFFFE00  }
0x11: {  	[tilespmem:s11], [sflag:$0x2] =	stream.indirect.gather [hbm4b:s3+s11], $0x1, s2, s11, $0xb8;
	[tilespmem:$0xC00] =	vst v63  }
0x12: {  	_ = 	snop  }
0x13: {  	[tilespmem:s12], [sflag:$0x1] =	stream.linear.gather [hbm4b:s5+s2], $0x200, $0x38;
	[tilespmem:$0xC00] =	vst v63  }
0x14: {  	_ = 	snop  }
0x15: {  	[tilespmem:s13], [sflag:$0x1] =	stream.linear.gather [hbm4b:s6+s2], $0x200, $0x38;
	[tilespmem:$0xC00] =	vst v63  }
0x16: {  	_ = 	snop  }
0x17: {  	[tilespmem:s14], [sflag:$0x1] =	stream.linear.gather [hbm4b:s7+s2], $0x200, $0x38;
	[tilespmem:$0xC00] =	vst v63  }
0x18: {  	_ =	swait.ge [sflag:s15], $0x200  }
0x19: {  	[sflag:s15] =	ssyncset.done $0x0  }
0x1a: {  	[sflag:s15] =	ssyncadd.s32 $0xFFFFFE00  }
0x1b: {  	_ =	swait.ge [sflag:s16], $0x200  }
0x1c: {  	[sflag:s16] =	ssyncset.done $0x0  }
0x1d: {  	[sflag:s16] =	ssyncadd.s32 $0xFFFFFE00  }
0x1e: {  	_ =	swait.ge [sflag:s16], $0x200  }
0x1f: {  	[sflag:s16] =	ssyncset.done $0x0  }
0x20: {  	[sflag:s16] =	ssyncadd.s32 $0xFFFFFE00  }
0x21: {  	_ =	swait.ge [sflag:s16], $0x200  }
0x22: {  	[sflag:s16] =	ssyncset.done $0x0  }
0x23: {  	s30 =	simm.s32 $0x0;
	[sflag:s16] =	ssyncadd.s32 $0xFFFFFE00  }
0x24: {  	v0 =	vld [tilespmem:s30+$0x200];
	_ =	sdelay $0x3  }
0x25: {  	s28 =	simm.s32 $0x10  }
0x26: {  	v1 =	vld [tilespmem:s28+$0x200];
	v0 =	vsub.f32 $0.0e+00, v0;
	_ =	sdelay $0x1  }
0x27: {  	v0 =	vmul.f32 $1.442695020e+00, v0;
	_ =	sdelay $0x1  }
0x28: {  	s25 =	simm.s32 $0x20;
	(erf) = vpow2.f32 v0  }
0x29: {  	v0 =	vsub.f32 $0.0e+00, v1;
	v1 =	vld [tilespmem:s25+$0x200];
	_ =	sdelay $0x1  }
0x2a: {  	v0 =	vmul.f32 $1.442695020e+00, v0;
	_ =	sdelay $0x1  }
0x2b: {  	(erf) = vpow2.f32 v0  }
0x2c: {  	s24 =	simm.s32 $0x30;
	v0 =	vsub.f32 $0.0e+00, v1  }
0x2d: {  	v1 =	vld [tilespmem:s24+$0x200]  }
0x2e: {  	v0 =	vmul.f32 $1.442695020e+00, v0  }
0x2f: {  	v2 =	vpop (erf)  }
0x30: {  	(erf) = vpow2.f32 v0;
	v0 =	vadd.f32 $1.000000000e+00, v2  }
0x31: {  	s21 =	simm.s32 $0x40  }
0x32: {  	v1 =	vsub.f32 $0.0e+00, v1;
	v2 =	vld [tilespmem:s21+$0x200];
	_ =	sdelay $0x1  }
0x33: {  	(erf) = vrcp.f32 v0;
	v1 =	vmul.f32 $1.442695020e+00, v1;
	v0 =	vpop (erf)  }
0x34: {  	v0 =	vadd.f32 $1.000000000e+00, v0  }
0x35: {  	(erf) = vpow2.f32 v1  }
0x36: {  	(erf) = vrcp.f32 v0;
	v0 =	vsub.f32 $0.0e+00, v2  }
0x37: {  	s19 =	simm.s32 $0x50  }
0x38: {  	v1 =	vld [tilespmem:s19+$0x200];
	v0 =	vmul.f32 $1.442695020e+00, v0  }
0x39: {  	v2 =	vpop (erf)  }
0x3a: {  	v3 =	vld [tilespmem:s30+$0x400];
	v2 =	vadd.f32 $1.000000000e+00, v2  }
0x3b: {  	(erf) = vpow2.f32 v0  }
0x3c: {  	v4 =	vld [tilespmem:s30+$0x600];
	(erf) = vrcp.f32 v2;
	v0 =	vpop (erf)  }
0x3d: {  	v1 =	vsub.f32 $0.0e+00, v1;
	v0 =	vadd.f32 $-5.000000000e-01, v0  }
0x3e: {  	s20 =	simm.s32 $0x60;
	v2 =	vld [tilespmem:s28+$0x400]  }
0x3f: {  	v1 =	vmul.f32 $1.442695020e+00, v1;
	v5 =	vpop (erf);
	v0 =	vmul.f32 v0, v3;
	v3 =	vld [tilespmem:s20+$0x200]  }
0x40: {  	v7 =	vld [tilespmem:s28+$0x600];
	v5 =	vadd.f32 $1.000000000e+00, v5;
	v6 =	vpop (erf)  }
0x41: {  	(erf) = vpow2.f32 v1;
	v1 =	vadd.f32 $-5.000000000e-01, v6;
	v0 =	vsub.f32 v4, v0;
	_ =	sdelay $0x1  }
0x42: {  	s22 =	simm.s32 $0x70;
	(erf) = vrcp.f32 v5;
	v4 =	vld [tilespmem:s25+$0x400];
	v1 =	vmul.f32 v1, v2;
	v0 =	vadd.f32 $0.0e+00, v0  }
0x43: {  	v2 =	vld [tilespmem:s22+$0x200];
	v5 =	vpop (erf);
	v3 =	vsub.f32 $0.0e+00, v3  }
0x44: {  	v6 =	vpop (erf);
	v1 =	vsub.f32 v7, v1;
	v7 =	vld [tilespmem:s25+$0x600];
	v0 =	vmul.f32 $1.442695020e+00, v0  }
0x45: {  	v6 =	vadd.f32 $-5.000000000e-01, v6;
	v3 =	vmul.f32 $1.442695020e+00, v3  }
0x46: {  	v1 =	vadd.f32 $0.0e+00, v1;
	(erf) = vpow2.f32 v0  }
0x47: {  	s23 =	simm.s32 $0x80;
	v0 =	vadd.f32 $1.000000000e+00, v5;
	(erf) = vpow2.f32 v3;
	v3 =	vmul.f32 v6, v4  }
0x48: {  	v2 =	vsub.f32 $0.0e+00, v2;
	v4 =	vld [tilespmem:s23+$0x200]  }
0x49: {  	v1 =	vmul.f32 $1.442695020e+00, v1;
	(erf) = vrcp.f32 v0;
	v0 =	vld [tilespmem:s24+$0x400];
	v3 =	vsub.f32 v7, v3  }
0x4a: {  	v5 =	vpop (erf);
	v2 =	vmul.f32 $1.442695020e+00, v2  }
0x4b: {  	v6 =	vpop (erf);
	(erf) = vpow2.f32 v1;
	v1 =	vadd.f32 $1.000000000e+00, v5;
	v5 =	vld [tilespmem:s24+$0x600];
	v3 =	vadd.f32 $0.0e+00, v3  }
0x4c: {  	(erf) = vpow2.f32 v2;
	v2 =	vadd.f32 $-5.000000000e-01, v6  }
0x4d: {  	(erf) = vrcp.f32 v1;
	v1 =	vmul.f32 $1.442695020e+00, v3  }
0x4e: {  	s26 =	simm.s32 $0x90;
	v4 =	vsub.f32 $0.0e+00, v4;
	v0 =	vmul.f32 v2, v0  }
0x4f: {  	v2 =	vld [tilespmem:s26+$0x200]  }
0x50: {  	v6 =	vld [tilespmem:s21+$0x400];
	v4 =	vmul.f32 $1.442695020e+00, v4;
	v3 =	vpop (erf);
	v0 =	vsub.f32 v5, v0  }
0x51: {  	(erf) = vpow2.f32 v1;
	v3 =	vadd.f32 $1.000000000e+00, v3;
	v1 =	vpop (erf)  }
0x52: {  	v8 =	vadd.f32 $0.0e+00, v0;
	v5 =	vpop (erf)  }
0x53: {  	v1 =	vadd.f32 $1.000000000e+00, v1;
	(erf) = vrcp.f32 v3;
	v3 =	vadd.f32 $-5.000000000e-01, v5  }
0x54: {  	v7 =	vld [tilespmem:s21+$0x600];
	(erf) = vpow2.f32 v4;
	v4 =	vpop (erf);
	v5 =	vsub.f32 $0.0e+00, v2;
	v8 =	vmul.f32 $1.442695020e+00, v8  }
0x55: {  	v0 =	vld [tilespmem:s30+$0x800];
	(erf) = vrcp.f32 v1;
	v4 =	vadd.f32 $1.000000000e+00, v4;
	v1 =	vmul.f32 v3, v6  }
0x56: {  	v6 =	vpop (erf);
	v5 =	vmul.f32 $1.442695020e+00, v5;
	(erf) = vpow2.f32 v8  }
0x57: {  	s29 =	simm.s32 $0xA0;
	v2 =	vld [tilespmem:s19+$0x400];
	v6 =	vadd.f32 $1.000000000e+00, v6;
	(erf) = vrcp.f32 v4  }
0x58: {  	v3 =	vld [tilespmem:s29+$0x200];
	(erf) = vpow2.f32 v5  }
0x59: {  	v8 =	vpop (erf);
	v1 =	vsub.f32 v7, v1;
	(erf) = vrcp.f32 v6  }
0x5a: {  	v4 =	vld [tilespmem:s19+$0x600];
	v5 =	vsub.f32 $1.000000000e+00, v0  }
0x5b: {  	s31 =	simm.s32 $0x2C0;
	v8 =	vadd.f32 $-5.000000000e-01, v8;
	v7 =	vadd.f32 $0.0e+00, v1;
	v1 =	vld [tilespmem:s28+$0x800];
	v6 =	vpop (erf)  }
.LBB2_2:
0x5c: {  	s0 =	sshra.s32 s31, $0x2  }
0x5d: {  	v9 =	vsub.f32 $0.0e+00, v3;
	v8 =	vmul.f32 v8, v2;
	v2 =	vld [tilespmem:s20+$0x400];
	v7 =	vmul.f32 $1.442695020e+00, v7;
	v10 =	vpop (erf);
	s1 =	smov.u32 s24;
	s24 =	smov.u32 s21;
	p0 =	sne.s32 s31, $0x7C0  }
.Ltmp0:
0x5e: {  	v6 =	vadd.f32 $1.000000000e+00, v6;
	s21 =	smov.u32 s19;
	s19 =	smov.u32 s20;
	v3 =	vld [tilespmem:s0+$0x200];
	v11 =	vpop (erf);
	v5 =	vmul.f32 v10, v5;
	(pc) =	sbr.rel @p0 .LBB2_2-.Ltmp0, $4  }
0x5f: {  	s20 =	smov.u32 s22;
	s22 =	smov.u32 s23;
	s23 =	smov.u32 s26;
	v9 =	vmul.f32 $1.442695020e+00, v9;
	v10 =	vpop (erf);
	v12 =	vsub.f32 v4, v8;
	(erf) = vpow2.f32 v7  }
0x60: {  	s31 =	sadd.s32 $0x40, s31;
	s26 =	smov.u32 s29;
	v11 =	vadd.f32 $1.000000000e+00, v11;
	v4 =	vld [tilespmem:s19+$0x600];
	(erf) = vrcp.f32 v6;
	v13 =	vadd.f32 v5, v0  }
0x61: {  	s29 =	smov.u32 s0;
	v8 =	vadd.f32 $-5.000000000e-01, v10;
	(erf) = vpow2.f32 v9;
	v7 =	vadd.f32 $0.0e+00, v12;
	v0 =	vmovc v1  }
0x62: {  	(erf) = vrcp.f32 v11;
	v6 =	vpop (erf);
	v1 =	vld [tilespmem:s25+$0x800];
	v5 =	vsub.f32 $1.000000000e+00, v0;
	[tilespmem:s30+$0xA00] =	vst v13;
	s30 =	smov.u32 s28;
	s28 =	smov.u32 s25;
	s25 =	smov.u32 s1  }
0x63: {  	v2 =	vmul.f32 v8, v2  }
0x64: {  	v3 =	vsub.f32 $0.0e+00, v3;
	v7 =	vmul.f32 $1.442695020e+00, v7  }
0x65: {  	v56 =	vld [tilespmem:s20+$0x400];
	v9 =	vpop (erf);
	v6 =	vadd.f32 $1.000000000e+00, v6;
	v2 =	vsub.f32 v4, v2  }
0x66: {  	v57 =	vpop (erf);
	v3 =	vmul.f32 $1.442695020e+00, v3;
	(erf) = vpow2.f32 v7  }
0x67: {  	v10 =	vld [tilespmem:s20+$0x600];
	v5 =	vmul.f32 v9, v5;
	v58 =	vpop (erf);
	(erf) = vrcp.f32 v6;
	v2 =	vadd.f32 $0.0e+00, v2  }
0x68: {  	v4 =	vadd.f32 $1.000000000e+00, v57;
	v59 =	vadd.f32 $-5.000000000e-01, v58;
	(erf) = vpow2.f32 v3  }
0x69: {  	v0 =	vadd.f32 v5, v0;
	v60 =	vpop (erf);
	v2 =	vmul.f32 $1.442695020e+00, v2  }
0x6a: {  	(erf) = vrcp.f32 v4;
	v3 =	vmul.f32 v59, v56;
	v61 =	vadd.f32 $1.000000000e+00, v60  }
0x6b: {  	v62 =	vld [tilespmem:s25+$0x800];
	(erf) = vpow2.f32 v2  }
0x6c: {  	[tilespmem:s30+$0xA00] =	vst v0;
	v9 =	vpop (erf);
	v3 =	vsub.f32 v10, v3;
	(erf) = vrcp.f32 v61  }
0x6d: {  	v63 =	vsub.f32 $1.000000000e+00, v1;
	v12 =	vld [tilespmem:s22+$0x400];
	v11 =	vpop (erf)  }
0x6e: {  	v13 =	vpop (erf);
	v3 =	vadd.f32 $0.0e+00, v3  }
0x6f: {  	v15 =	vld [tilespmem:s24+$0x800];
	v2 =	vmul.f32 v9, v63;
	v0 =	vadd.f32 $1.000000000e+00, v11;
	v14 =	vpop (erf)  }
0x70: {  	v18 =	vsub.f32 $1.000000000e+00, v62;
	v16 =	vld [tilespmem:s22+$0x600];
	v6 =	vadd.f32 $-5.000000000e-01, v13;
	v3 =	vmul.f32 $1.442695020e+00, v3;
	v19 =	vpop (erf)  }
0x71: {  	v17 =	vadd.f32 v2, v1;
	(erf) = vrcp.f32 v0;
	v7 =	vadd.f32 $1.000000000e+00, v14;
	v20 =	vpop (erf)  }
0x72: {  	v23 =	vmul.f32 v6, v12;
	(erf) = vpow2.f32 v3;
	v0 =	vadd.f32 $1.000000000e+00, v20  }
0x73: {  	v21 =	vmul.f32 v19, v18;
	v24 =	vpop (erf);
	(erf) = vrcp.f32 v7  }
0x74: {  	v27 =	vsub.f32 $1.000000000e+00, v15;
	[tilespmem:s28+$0xA00] =	vst v17;
	(erf) = vrcp.f32 v0;
	v26 =	vpop (erf)  }
0x75: {  	v22 =	vld [tilespmem:s23+$0x400];
	v3 =	vsub.f32 v16, v23;
	v1 =	vadd.f32 v21, v62;
	v29 =	vpop (erf)  }
0x76: {  	v25 =	vld [tilespmem:s23+$0x600];
	v30 =	vmul.f32 v29, v27  }
0x77: {  	v28 =	vld [tilespmem:s21+$0x800];
	v3 =	vadd.f32 $0.0e+00, v3;
	[tilespmem:s25+$0xA00] =	vst v1  }
0x78: {  	v31 =	vld [tilespmem:s26+$0x400];
	v1 =	vadd.f32 v30, v15  }
0x79: {  	v3 =	vmul.f32 $1.442695020e+00, v3;
	v32 =	vld [tilespmem:s26+$0x600]  }
0x7a: {  	v4 =	vadd.f32 $-5.000000000e-01, v24;
	v33 =	vld [tilespmem:s19+$0x800];
	v34 =	vpop (erf);
	[tilespmem:s24+$0xA00] =	vst v1  }
0x7b: {  	(erf) = vpow2.f32 v3;
	v35 =	vpop (erf);
	v36 =	vld [tilespmem:s29+$0x400]  }
0x7c: {  	v2 =	vmul.f32 v4, v22;
	v37 =	vadd.f32 $-5.000000000e-01, v34;
	v38 =	vpop (erf)  }
0x7d: {  	v12 =	vld [tilespmem:s29+$0x600];
	v11 =	vpop (erf)  }
0x7e: {  	v2 =	vsub.f32 v25, v2;
	v4 =	vmul.f32 v37, v31;
	v39 =	vadd.f32 $-5.000000000e-01, v11;
	_ =	sdelay $0x1  }
0x7f: {  	v2 =	vadd.f32 $0.0e+00, v2;
	v4 =	vsub.f32 v32, v4;
	v3 =	vmul.f32 v39, v36  }
0x80: {  	v0 =	vadd.f32 $1.000000000e+00, v26  }
0x81: {  	v2 =	vmul.f32 $1.442695020e+00, v2;
	v4 =	vadd.f32 $0.0e+00, v4;
	v3 =	vsub.f32 v12, v3  }
0x82: {  	v40 =	vsub.f32 $1.000000000e+00, v28;
	(erf) = vrcp.f32 v0;
	v1 =	vadd.f32 $1.000000000e+00, v35  }
0x83: {  	(erf) = vpow2.f32 v2;
	v41 =	vpop (erf);
	v4 =	vmul.f32 $1.442695020e+00, v4;
	v3 =	vadd.f32 $0.0e+00, v3  }
0x84: {  	v0 =	vmul.f32 v38, v40;
	(erf) = vrcp.f32 v1;
	v42 =	vadd.f32 $1.000000000e+00, v41  }
0x85: {  	(erf) = vpow2.f32 v4;
	v43 =	vmul.f32 $1.442695020e+00, v3  }
0x86: {  	(erf) = vrcp.f32 v42  }
0x87: {  	v0 =	vadd.f32 v0, v28;
	(erf) = vpow2.f32 v43;
	_ =	sdelay $0x1  }
0x88: {  	v44 =	vld [tilespmem:s20+$0x800];
	[tilespmem:s21+$0xA00] =	vst v0  }
0x89: {  	v0 =	vld [tilespmem:s22+$0x800]  }
0x8a: {  	v46 =	vpop (erf)  }
0x8b: {  	v45 =	vsub.f32 $1.000000000e+00, v33;
	v47 =	vpop (erf)  }
0x8c: {  	v49 =	vpop (erf)  }
0x8d: {  	v48 =	vsub.f32 $1.000000000e+00, v44;
	v2 =	vmul.f32 v46, v45;
	v50 =	vpop (erf)  }
0x8e: {  	v51 =	vsub.f32 $1.000000000e+00, v0;
	v4 =	vadd.f32 $1.000000000e+00, v47;
	v52 =	vpop (erf)  }
0x8f: {  	v2 =	vadd.f32 v2, v33;
	v3 =	vmul.f32 v49, v48;
	v53 =	vadd.f32 $1.000000000e+00, v50;
	v54 =	vpop (erf)  }
0x90: {  	(erf) = vrcp.f32 v4;
	v55 =	vmul.f32 v52, v51;
	v56 =	vadd.f32 $1.000000000e+00, v54  }
0x91: {  	v1 =	vadd.f32 v3, v44;
	(erf) = vrcp.f32 v53  }
0x92: {  	[tilespmem:s19+$0xA00] =	vst v2;
	v0 =	vadd.f32 v55, v0;
	(erf) = vrcp.f32 v56  }
0x93: {  	v57 =	vld [tilespmem:s23+$0x800];
	[tilespmem:s20+$0xA00] =	vst v1  }
0x94: {  	v1 =	vld [tilespmem:s26+$0x800];
	[tilespmem:s22+$0xA00] =	vst v0  }
0x95: {  	v0 =	vld [tilespmem:s29+$0x800];
	_ =	sdelay $0x2  }
0x96: {  	v58 =	vsub.f32 $1.000000000e+00, v57  }
0x97: {  	v59 =	vpop (erf);
	v60 =	vsub.f32 $1.000000000e+00, v1  }
0x98: {  	v2 =	vmul.f32 v59, v58;
	v61 =	vpop (erf);
	v62 =	vsub.f32 $1.000000000e+00, v0  }
0x99: {  	v3 =	vmul.f32 v61, v60;
	v63 =	vpop (erf)  }
0x9a: {  	v2 =	vadd.f32 v2, v57;
	v4 =	vmul.f32 v63, v62  }
0x9b: {  	v1 =	vadd.f32 v3, v1  }
0x9c: {  	s18 =	sadd.s32 $0x1, s18;
	[tilespmem:s23+$0xA00] =	vst v2;
	v0 =	vadd.f32 v4, v0  }
0x9d: {  	p0 =	sne.s32 s18, s9;
	[tilespmem:s26+$0xA00] =	vst v1  }
.Ltmp1:
0x9e: {  	[tilespmem:s29+$0xA00] =	vst v0;
	(pc) =	sbr.rel @p0 .LBB2_1-.Ltmp1, $4  }
0x9f: {  	[hbm4b:s8+s2] =	stream.linear.scatter [tilespmem:s17], [sflag:$0x3], $0x200, $0x38;
	[tilespmem:$0xC00] =	vst v63  }
0xa0: {  	_ =	swait.ge [sflag:s10], $0x200  }
0xa1: {  	[sflag:s10] =	ssyncset.done $0x0  }
0xa2: {  	[sflag:s10] =	ssyncadd.s32 $0xFFFFFE00  }
0xa3: {  	_ =	sfence.sel $0x180000  }
0xa4: {  	[bflag:$0x0] =	sbarrier.arrive $0xFFFF  }
0xa5: {  	_ =	strace $0x9000004A  }
0xa6: {  	s0 =	stileid.u32;
	[bflag:$0x2] =	sbarrier.arrive $0xFFFF  }
0xa7: {  	p0 =	sne.s32 s0, $0x0;
	s0 =	rddreg [dreg:$0x3]  }
0xa8: {  	s0 =	sadd.s32 @!p0 $0x100000, s0  }
0xa9: {  	[sflag:s0] =	ssyncadd.tile.s32 @!p0 $0x1;
	_ =	shalt  }
.Lfunc_end2:
_tile_overlayer_lowered:
.L_overlay_start_2:
0xaa: {  	(tag) =	ssettag $0x2  }
0xab: {  	s0 =	rddreg [dreg:$0x0];
	s2 =	stileid.u32  }
0xac: {  	s1 =	rddreg [dreg:$0x1];
	p0 =	sne.s32 s2, $0x0  }
0xad: {  	s3 =	rddreg [dreg:$0x2];
	[bflag:$0x3] =	sbarrier.arrive $0xFFFF;
	s2 =	simm.s32 @!p0 $0x1C03  }
0xae: {  	[timem:s3], [sflag:s2] =	dma.local @!p0 [hbm:s0], s1  }
0xaf: {  	s0 =	simm.s32 @!p0 $0x3  }
0xb0: {  	_ =	swait.ge @!p0 [sflag:s0], s1  }
0xb1: {  	s1 =	ssub.s32 @!p0 $0x0, s1;
	[sflag:s0] =	ssyncset.done @!p0 $0x0  }
0xb2: {  	[sflag:s0] =	ssyncadd.s32 @!p0 s1  }
0xb3: {  	[bflag:$0x3] =	sbarrier.arrive $0xFFFF  }
0xb4: {  	_ =	shalt  }

</sc_bundles>
